<compile_context>
chip_gen: v7x
topology: tpu7x:2x2x1
jax: 0.10.2.dev20260603
libtpu: 0.0.44.dev20260713+nightly
codegen_flags: <defaults>
</compile_context>

<pallas_src>
import functools

import jax
import jax.numpy as jnp
from jax import lax
from jax.experimental import pallas as pl
from jax.experimental.pallas import tpu as pltpu
from jax.experimental.pallas import tpu_sc as plsc

B = 4
N_POINT = 4096
N_CENTER = 1024
N_NEAR = 32
C_IN = 128
C_MID = 183
C_OUT = 256

BM = 512
M_TOTAL = B * N_CENTER * N_NEAR
N_ROWS_F = float(M_TOTAL)
EPS = 1e-5


_FPS_SUB = 32
_FPS_LANE = 128


def _fps_body(x_ref, y_ref, z_ref, idx_out_ref, ctr_out_ref):
    X = x_ref[...]
    Y = y_ref[...]
    Z = z_ref[...]
    niota = (jax.lax.broadcasted_iota(jnp.int32, (B, _FPS_SUB, _FPS_LANE), 1) * _FPS_LANE
             + jax.lax.broadcasted_iota(jnp.int32, (B, _FPS_SUB, _FPS_LANE), 2))

    def step(t, carry):
        dist, far = carry
        cmask = niota == far
        cx = jnp.min(jnp.where(cmask, X, 1e9), axis=(1, 2), keepdims=True)
        cy = jnp.min(jnp.where(cmask, Y, 1e9), axis=(1, 2), keepdims=True)
        cz = jnp.min(jnp.where(cmask, Z, 1e9), axis=(1, 2), keepdims=True)
        idx_out_ref[pl.ds(t, 1), :] = far[:, 0, :].reshape(1, B)
        ctr_out_ref[pl.ds(t, 1), :] = jnp.concatenate(
            [cx[:, 0, :], cy[:, 0, :], cz[:, 0, :]], axis=0).reshape(1, 3 * B)
        dx = X - cx
        dy = Y - cy
        dz = Z - cz
        d = (dx * dx + dz * dz) + dy * dy
        dist = jnp.minimum(dist, d)
        m = jnp.max(dist, axis=(1, 2), keepdims=True)
        far = jnp.min(jnp.where(dist == m, niota, jnp.int32(N_POINT)),
                      axis=(1, 2), keepdims=True)
        return dist, far

    init = (jnp.full((B, _FPS_SUB, _FPS_LANE), 1e10, dtype=jnp.float32),
            jnp.zeros((B, 1, 1), dtype=jnp.int32))
    jax.lax.fori_loop(0, N_CENTER, step, init, unroll=False)


def _fps_pallas(xyz):
    xt = jnp.transpose(xyz, (2, 0, 1)).reshape(3, B, _FPS_SUB, _FPS_LANE)
    idx_bs, ctr = pl.pallas_call(
        _fps_body,
        grid=(1,),
        in_specs=[pl.BlockSpec((B, _FPS_SUB, _FPS_LANE), lambda i: (0, 0, 0))] * 3,
        out_specs=[
            pl.BlockSpec((N_CENTER, B), lambda i: (0, 0)),
            pl.BlockSpec((N_CENTER, 3 * B), lambda i: (0, 0)),
        ],
        out_shape=[
            jax.ShapeDtypeStruct((N_CENTER, B), jnp.int32),
            jax.ShapeDtypeStruct((N_CENTER, 3 * B), jnp.float32),
        ],
    )(xt[0], xt[1], xt[2])
    fps_idx = jnp.transpose(idx_bs)
    center_xyz = jnp.transpose(ctr.reshape(N_CENTER, 3, B), (2, 0, 1))
    return fps_idx, center_xyz


def _dist_body(ctr_ref, xt_ref, d_ref):
    lmask = (jax.lax.broadcasted_iota(jnp.int32, (_DCH, 16), 1) < 3
             ).astype(jnp.float32)
    cbf = (ctr_ref[...] * lmask).astype(jnp.bfloat16)
    xbf = xt_ref[0].astype(jnp.bfloat16)
    P2 = jnp.dot(cbf, xbf, preferred_element_type=jnp.float32)
    sqc = ctr_ref[:, 4:5]
    sqrow = xt_ref[0, 3:4, :]
    d_ref[0] = -((sqc + sqrow) + P2)


_DCH = 256


def _dist_pallas(ctrK, xtK):
    return pl.pallas_call(
        _dist_body,
        grid=(B * (N_CENTER // _DCH),),
        in_specs=[
            pl.BlockSpec((_DCH, 16), lambda i: (i, 0)),
            pl.BlockSpec((1, 16, N_POINT), lambda i: (i // 4, 0, 0)),
        ],
        out_specs=pl.BlockSpec((1, _DCH, N_POINT), lambda i: (i // 4, i % 4, 0)),
        out_shape=jax.ShapeDtypeStruct((B, N_CENTER, N_POINT), jnp.float32),
    )(ctrK, xtK)


_GW = 32
_G_PER_W = M_TOTAL // _GW
_GCHUNK = 256
_GN_CHUNKS = _G_PER_W // _GCHUNK
_GD = C_IN + 128


def _sc_gather(gidx, table):
    mesh = plsc.VectorSubcoreMesh(core_axis_name="c", subcore_axis_name="s")

    @functools.partial(
        pl.kernel,
        mesh=mesh,
        out_type=jax.ShapeDtypeStruct((M_TOTAL, _GD), jnp.float32),
        scratch_types=[
            pltpu.VMEM((_GCHUNK,), jnp.int32),
            pltpu.VMEM((_GCHUNK, _GD), jnp.float32),
            pltpu.SemaphoreType.DMA,
        ],
    )
    def body(idx_hbm, tab_hbm, out_hbm, idx_v, rows_v, s1):
        wid = lax.axis_index("s") * 2 + lax.axis_index("c")

        def chunk(c, carry):
            base = wid * _G_PER_W + c * _GCHUNK
            pltpu.sync_copy(idx_hbm.at[pl.ds(base, _GCHUNK)], idx_v)
            pltpu.async_copy(tab_hbm.at[idx_v], rows_v, s1).wait()
            pltpu.sync_copy(rows_v, out_hbm.at[pl.ds(base, _GCHUNK)])
            return carry

        lax.fori_loop(0, _GN_CHUNKS, chunk, 0)

    return body(gidx, table)


def _mlp1_body(g_ref, ctr_ref, w1a_ref, w1b_ref, b1_ref,
               h1_ref, stats_ref):
    i = pl.program_id(0)
    gfea = g_ref[:, :C_IN]
    gx = (g_ref[:, C_IN:C_IN + 16].reshape(BM // N_NEAR, N_NEAR, 16)
          - ctr_ref[...][:, None, :]).reshape(BM, 16)
    h = (jnp.dot(gfea, w1a_ref[...], preferred_element_type=jnp.float32)
         + jnp.dot(gx, w1b_ref[...], preferred_element_type=jnp.float32)
         + b1_ref[...])
    h1_ref[...] = h
    s = jnp.sum(h, axis=0, keepdims=True)
    ss = jnp.sum(h * h, axis=0, keepdims=True)
    upd = jnp.concatenate([s, ss], axis=0)

    @pl.when(i == 0)
    def _():
        stats_ref[...] = upd

    @pl.when(i > 0)
    def _():
        stats_ref[...] += upd


def _mlp_pass1(gcomb, ctr16, W1a, W1b, b1):
    grid = (M_TOTAL // BM,)
    return pl.pallas_call(
        _mlp1_body,
        grid=grid,
        in_specs=[
            pl.BlockSpec((BM, _GD), lambda i: (i, 0)),
            pl.BlockSpec((BM // N_NEAR, 16), lambda i: (i, 0)),
            pl.BlockSpec((C_IN, C_MID), lambda i: (0, 0)),
            pl.BlockSpec((16, C_MID), lambda i: (0, 0)),
            pl.BlockSpec((1, C_MID), lambda i: (0, 0)),
        ],
        out_specs=[
            pl.BlockSpec((BM, C_MID), lambda i: (i, 0)),
            pl.BlockSpec((2, C_MID), lambda i: (0, 0)),
        ],
        out_shape=[
            jax.ShapeDtypeStruct((M_TOTAL, C_MID), jnp.float32),
            jax.ShapeDtypeStruct((2, C_MID), jnp.float32),
        ],
    )(gcomb, ctr16, W1a, W1b, b1)


def _mlp2_body(h1_ref, stats1_ref, w2_ref, b2_ref, g1_ref, be1_ref,
               maxh2_ref, stats2_ref):
    i = pl.program_id(0)
    m1 = stats1_ref[0:1, :] / N_ROWS_F
    var1 = stats1_ref[1:2, :] / N_ROWS_F - m1 * m1
    inv1 = g1_ref[...] * jax.lax.rsqrt(var1 + EPS)
    a = jnp.maximum((h1_ref[...] - m1) * inv1 + be1_ref[...], 0.0)
    h2 = jnp.dot(a, w2_ref[...], preferred_element_type=jnp.float32) + b2_ref[...]
    s = jnp.sum(h2, axis=0, keepdims=True)
    ss = jnp.sum(h2 * h2, axis=0, keepdims=True)
    upd = jnp.concatenate([s, ss], axis=0)
    maxh2_ref[...] = jnp.max(h2.reshape(BM // N_NEAR, N_NEAR, C_OUT), axis=1)

    @pl.when(i == 0)
    def _():
        stats2_ref[...] = upd

    @pl.when(i > 0)
    def _():
        stats2_ref[...] += upd


def _mlp_pass2(h1, stats1, W2, b2, g1, be1):
    grid = (M_TOTAL // BM,)
    return pl.pallas_call(
        _mlp2_body,
        grid=grid,
        in_specs=[
            pl.BlockSpec((BM, C_MID), lambda i: (i, 0)),
            pl.BlockSpec((2, C_MID), lambda i: (0, 0)),
            pl.BlockSpec((C_MID, C_OUT), lambda i: (0, 0)),
            pl.BlockSpec((1, C_OUT), lambda i: (0, 0)),
            pl.BlockSpec((1, C_MID), lambda i: (0, 0)),
            pl.BlockSpec((1, C_MID), lambda i: (0, 0)),
        ],
        out_specs=[
            pl.BlockSpec((BM // N_NEAR, C_OUT), lambda i: (i, 0)),
            pl.BlockSpec((2, C_OUT), lambda i: (0, 0)),
        ],
        out_shape=[
            jax.ShapeDtypeStruct((B * N_CENTER, C_OUT), jnp.float32),
            jax.ShapeDtypeStruct((2, C_OUT), jnp.float32),
        ],
    )(h1, stats1, W2, b2, g1, be1)


def _epi_body(x_ref, stats2_ref, g2_ref, be2_ref, o_ref):
    m2 = stats2_ref[0:1, :] / N_ROWS_F
    var2 = stats2_ref[1:2, :] / N_ROWS_F - m2 * m2
    inv2 = g2_ref[...] * jax.lax.rsqrt(var2 + EPS)
    o_ref[...] = jnp.maximum((x_ref[...] - m2) * inv2 + be2_ref[...], 0.0)


def _mlp_epilogue(maxh2, stats2, g2, be2):
    grid = (8,)
    bm = (B * N_CENTER) // 8
    return pl.pallas_call(
        _epi_body,
        grid=grid,
        in_specs=[
            pl.BlockSpec((bm, C_OUT), lambda i: (i, 0)),
            pl.BlockSpec((2, C_OUT), lambda i: (0, 0)),
            pl.BlockSpec((1, C_OUT), lambda i: (0, 0)),
            pl.BlockSpec((1, C_OUT), lambda i: (0, 0)),
        ],
        out_specs=pl.BlockSpec((bm, C_OUT), lambda i: (i, 0)),
        out_shape=jax.ShapeDtypeStruct((B * N_CENTER, C_OUT), jnp.float32),
    )(maxh2, stats2, g2, be2)


def kernel(xyz, fea, W1, b1, g1, be1, W2, b2, g2, be2):
    fps_idx, center_xyz = _fps_pallas(xyz)
    sq = jnp.sum(xyz * xyz, axis=-1)
    sqc = jnp.take_along_axis(sq, fps_idx, axis=1)
    BS = B * N_CENTER
    ctrK = jnp.concatenate([
        center_xyz.reshape(BS, 3),
        jnp.ones((BS, 1), jnp.float32),
        sqc.reshape(BS, 1),
        jnp.zeros((BS, 11), jnp.float32),
    ], axis=1)
    xtK = jnp.concatenate([
        -2.0 * jnp.transpose(xyz, (0, 2, 1)),
        sq[:, None, :],
        jnp.ones((B, 1, N_POINT), jnp.float32),
        jnp.zeros((B, 11, N_POINT), jnp.float32),
    ], axis=1)
    negd = _dist_pallas(ctrK, xtK)
    _, group_idx = jax.lax.top_k(negd, N_NEAR)

    gidx = (group_idx.astype(jnp.int32)
            + (jnp.arange(B, dtype=jnp.int32) * N_POINT)[:, None, None]
            ).reshape(M_TOTAL)
    fea2 = fea.reshape(B * N_POINT, C_IN)
    xyzp = jnp.pad(xyz.reshape(B * N_POINT, 3), ((0, 0), (0, 125)))
    table = jnp.concatenate([fea2, xyzp], axis=1)
    gcomb = _sc_gather(gidx, table)

    ctr16 = jnp.pad(center_xyz.reshape(B * N_CENTER, 3), ((0, 0), (0, 13)))
    W1a = W1[:C_IN]
    W1b = jnp.pad(W1[C_IN:], ((0, 13), (0, 0)))
    h1, stats1 = _mlp_pass1(gcomb, ctr16, W1a, W1b, b1[None, :])
    maxh2, stats2 = _mlp_pass2(h1, stats1, W2, b2[None, :], g1[None, :], be1[None, :])
    out = _mlp_epilogue(maxh2, stats2, g2[None, :], be2[None, :])
    return (center_xyz, out.reshape(B, N_CENTER, C_OUT))

# --- scband reference (transcript-rebuilt; emitter-appended) ---
"""Pipeline reference for scband-down-sample-24739011624966 (READ-ONLY COPY).

The authoritative reference and input builder live on the scoring server;
editing this copy changes nothing except your own understanding.
"""

import jax, jax.numpy as jnp
import numpy as np

B = 4
N_POINT = 4096
N_CENTER = 1024
N_NEAR = 32
C_IN = 128
C_MID = 183  # int(((128+3)*256)**0.5)
C_OUT = 256


def knn(xyz, k):
    sq = jnp.sum(xyz * xyz, axis=-1)
    dist = sq[:, :, None] + sq[:, None, :] - 2.0 * jnp.einsum('bnc,bmc->bnm', xyz, xyz)
    _, idx = jax.lax.top_k(-dist, k)
    return idx  # [B, N, k]


def fps(xyz, n_center):
    b, n, _ = xyz.shape

    def step(carry, _):
        dist, far = carry
        centroid = jnp.take_along_axis(xyz, far[:, None, None].astype(jnp.int32), axis=1)  # [B,1,3]
        d = jnp.sum((xyz - centroid) ** 2, axis=-1)
        dist = jnp.minimum(dist, d)
        new_far = jnp.argmax(dist, axis=-1).astype(jnp.int32)
        return (dist, new_far), far

    init = (jnp.full((b, n), 1e10, dtype=jnp.float32), jnp.zeros((b,), dtype=jnp.int32))
    _, idxs = jax.lax.scan(step, init, None, length=n_center)
    return jnp.transpose(idxs)  # [B, n_center]


def index_points(points, idx):
    return jax.vmap(lambda p, i: p[i])(points, idx)


def bn(x, gamma, beta, eps=1e-5):
    mean = jnp.mean(x, axis=(0, 1, 2), keepdims=True)
    var = jnp.var(x, axis=(0, 1, 2), keepdims=True)
    return (x - mean) / jnp.sqrt(var + eps) * gamma + beta


def mlp(x, W1, b1, g1, be1, W2, b2, g2, be2):
    h = x @ W1 + b1
    h = jax.nn.relu(bn(h, g1, be1))
    h = h @ W2 + b2
    h = jax.nn.relu(bn(h, g2, be2))
    return h


def setup_inputs(seed: int = 0) -> dict:
    key = jax.random.key(seed)
    ks = jax.random.split(key, 6)
    xyz = jax.random.uniform(ks[0], (B, N_POINT, 3), dtype=jnp.float32)
    fea = jax.random.normal(ks[1], (B, N_POINT, C_IN), dtype=jnp.float32)
    W1 = jax.random.normal(ks[2], (C_IN + 3, C_MID), dtype=jnp.float32) * (1.0 / np.sqrt(C_IN + 3))
    b1 = jnp.zeros((C_MID,), dtype=jnp.float32)
    g1 = jnp.ones((C_MID,), dtype=jnp.float32)
    be1 = jnp.zeros((C_MID,), dtype=jnp.float32)
    W2 = jax.random.normal(ks[3], (C_MID, C_OUT), dtype=jnp.float32) * (1.0 / np.sqrt(C_MID))
    b2 = jnp.zeros((C_OUT,), dtype=jnp.float32)
    g2 = jnp.ones((C_OUT,), dtype=jnp.float32)
    be2 = jnp.zeros((C_OUT,), dtype=jnp.float32)
    return {"xyz": xyz, "fea": fea, "W1": W1, "b1": b1, "g1": g1, "be1": be1, "W2": W2, "b2": b2, "g2": g2, "be2": be2}


def reference(xyz, fea, W1, b1, g1, be1, W2, b2, g2, be2):
    idx_surfknn_all = knn(xyz, N_NEAR)            # [B, N, K]
    fps_idx = fps(xyz, N_CENTER)                  # [B, S]
    center_xyz = index_points(xyz, fps_idx)       # [B, S, 3]
    group_idx = index_points(idx_surfknn_all, fps_idx)  # [B, S, K]
    group_xyz = index_points(xyz, group_idx)      # [B, S, K, 3]
    xyz_relative = group_xyz - center_xyz[:, :, None, :]
    group_fea = index_points(fea, group_idx)      # [B, S, K, C_IN]
    g = jnp.concatenate([group_fea, xyz_relative], axis=-1)  # [B, S, K, C_IN+3]
    h = mlp(g, W1, b1, g1, be1, W2, b2, g2, be2)  # [B, S, K, C_OUT]
    new_fea = jnp.max(h, axis=2)                  # [B, S, C_OUT]
    return (center_xyz, new_fea)

if __name__ == "__main__":
    import jax
    _d = setup_inputs()
    print(jax.jit(kernel)(*tuple(_d.values())))

</pallas_src>

<mosaic_0001>
#map = affine_map<(d0, d1) -> (0)>
#map1 = affine_map<(d0, d1) -> (0, 0)>
module attributes {stable_mosaic.version = 14 : i64} {
  func.func @body(%arg0: i32, %arg1: i32, %arg2: memref<131072xi32, #tpu.memory_space<hbm>>, %arg3: memref<16384x256xf32, #tpu.memory_space<hbm>>, %arg4: memref<131072x256xf32, #tpu.memory_space<hbm>>, %arg5: memref<256xi32, #tpu.memory_space<vmem>>, %arg6: memref<256x256xf32, #tpu.memory_space<vmem>>, %arg7: memref<!tpu.dma_semaphore, #tpu.memory_space<semaphore_mem>>) attributes {dimension_semantics = [#tpu.dimension_semantics<core_parallel>, #tpu.dimension_semantics<subcore_parallel>], iteration_bounds = array<i64: 2, 16>, scalar_prefetch = 0 : i64, scratch_operands = 3 : i64, tpu.core_type = #tpu.core_type<sc_vector_subcore>, window_params = [{transform_indices = #map}, {transform_indices = #map1}, {transform_indices = #map1}]} {
    %mul3A = arith.constant 2 : i32
    %mul3A_0 = arith.muli %arg1, %mul3A : i32
    %add3A = arith.addi %mul3A_0, %arg0 : i32
    %scan3A = arith.constant 0 : i32
    %scan3A_1 = arith.constant 0 : i32
    %scan3A_2 = arith.constant 16 : i32
    %scan3A_3 = arith.addi %scan3A_1, %scan3A_2 : i32
    %scan3A_4 = arith.constant 1 : i32
    scf.for %scan3A_6 = %scan3A_1 to %scan3A_3 step %scan3A_4  : i32 {
      %mul3A_7 = arith.constant 4096 : i32
      %mul3A_8 = arith.muli %add3A, %mul3A_7 : i32
      %mul3A_9 = arith.constant 256 : i32
      %mul3A_10 = arith.muli %scan3A_6, %mul3A_9 : i32
      %add3A_11 = arith.addi %mul3A_8, %mul3A_10 : i32
      "tpu.region"() ({
        %run_scoped3A = tpu.sem_alloc : memref<!tpu.dma_semaphore, #tpu.memory_space<semaphore_mem>>
        %dma_start3A_16 = tpu.memref_slice %arg2[%add3A_11] : memref<131072xi32, #tpu.memory_space<hbm>> -> memref<256xi32, #tpu.memory_space<hbm>>
        %dma_start3A_17 = tpu.memref_slice %arg2[%add3A_11] : memref<131072xi32, #tpu.memory_space<hbm>> -> memref<256xi32, #tpu.memory_space<hbm>>
        tpu.enqueue_dma source(%dma_start3A_17 : memref<256xi32, #tpu.memory_space<hbm>>) target(%arg5 : memref<256xi32, #tpu.memory_space<vmem>>) target_semaphore(%run_scoped3A : memref<!tpu.dma_semaphore, #tpu.memory_space<semaphore_mem>>)
        %dma_wait3A_18 = tpu.memref_slice %arg2[%add3A_11] : memref<131072xi32, #tpu.memory_space<hbm>> -> memref<256xi32, #tpu.memory_space<hbm>>
        %dma_wait3A_19 = tpu.memref_slice %arg2[%add3A_11] : memref<131072xi32, #tpu.memory_space<hbm>> -> memref<256xi32, #tpu.memory_space<hbm>>
        tpu.wait_dma2 semaphore(%run_scoped3A : memref<!tpu.dma_semaphore, #tpu.memory_space<semaphore_mem>>) src(%dma_wait3A_19 : memref<256xi32, #tpu.memory_space<hbm>>) dst(%arg5 : memref<256xi32, #tpu.memory_space<vmem>>)
        tpu.yield
      }) : () -> ()
      %dma_start3A = arith.constant 0 : i32
      %dma_start3A_12 = arith.constant 0 : i32
      %dma_start3A_13 = tpu.memref_slice %arg3[%dma_start3A, %dma_start3A_12] : memref<16384x256xf32, #tpu.memory_space<hbm>> -> memref<16384x256xf32, #tpu.memory_space<hbm>>
      tpu.enqueue_indirect_dma source(%dma_start3A_13 : memref<16384x256xf32, #tpu.memory_space<hbm>>) target(%arg6 : memref<256x256xf32, #tpu.memory_space<vmem>>) offsets(%arg5 : memref<256xi32, #tpu.memory_space<vmem>>) semaphore(%arg7 : memref<!tpu.dma_semaphore, #tpu.memory_space<semaphore_mem>>)
      %dma_wait3A = arith.constant 0 : i32
      %dma_wait3A_14 = arith.constant 0 : i32
      %dma_wait3A_15 = tpu.memref_slice %arg3[%dma_wait3A, %dma_wait3A_14] : memref<16384x256xf32, #tpu.memory_space<hbm>> -> memref<16384x256xf32, #tpu.memory_space<hbm>>
      tpu.wait_indirect_dma semaphore(%arg7 : memref<!tpu.dma_semaphore, #tpu.memory_space<semaphore_mem>>) src(%dma_wait3A_15 : memref<16384x256xf32, #tpu.memory_space<hbm>>) dst(%arg6 : memref<256x256xf32, #tpu.memory_space<vmem>>)
      "tpu.region"() ({
        %run_scoped3A = tpu.sem_alloc : memref<!tpu.dma_semaphore, #tpu.memory_space<semaphore_mem>>
        %dma_start3A_16 = arith.constant 0 : i32
        %dma_start3A_17 = tpu.memref_slice %arg4[%add3A_11, %dma_start3A_16] : memref<131072x256xf32, #tpu.memory_space<hbm>> -> memref<256x256xf32, #tpu.memory_space<hbm>>
        %dma_start3A_18 = arith.constant 0 : i32
        %dma_start3A_19 = tpu.memref_slice %arg4[%add3A_11, %dma_start3A_18] : memref<131072x256xf32, #tpu.memory_space<hbm>> -> memref<256x256xf32, #tpu.memory_space<hbm>>
        tpu.enqueue_dma source(%arg6 : memref<256x256xf32, #tpu.memory_space<vmem>>) target(%dma_start3A_19 : memref<256x256xf32, #tpu.memory_space<hbm>>) target_semaphore(%run_scoped3A : memref<!tpu.dma_semaphore, #tpu.memory_space<semaphore_mem>>)
        %dma_wait3A_20 = arith.constant 0 : i32
        %dma_wait3A_21 = tpu.memref_slice %arg4[%add3A_11, %dma_wait3A_20] : memref<131072x256xf32, #tpu.memory_space<hbm>> -> memref<256x256xf32, #tpu.memory_space<hbm>>
        %dma_wait3A_22 = arith.constant 0 : i32
        %dma_wait3A_23 = tpu.memref_slice %arg4[%add3A_11, %dma_wait3A_22] : memref<131072x256xf32, #tpu.memory_space<hbm>> -> memref<256x256xf32, #tpu.memory_space<hbm>>
        tpu.wait_dma2 semaphore(%run_scoped3A : memref<!tpu.dma_semaphore, #tpu.memory_space<semaphore_mem>>) src(%arg6 : memref<256x256xf32, #tpu.memory_space<vmem>>) dst(%dma_wait3A_23 : memref<256x256xf32, #tpu.memory_space<hbm>>)
        tpu.yield
      }) : () -> ()
    }
    %scan3A_5 = arith.constant 16 : i32
    return
  }
}

module attributes {stable_mosaic.version = 14 : i64} {
  func.func @_fps_body(%arg0: i32, %arg1: memref<4x32x128xf32, #tpu.memory_space<vmem>>, %arg2: memref<4x32x128xf32, #tpu.memory_space<vmem>>, %arg3: memref<4x32x128xf32, #tpu.memory_space<vmem>>, %arg4: memref<1024x4xi32, #tpu.memory_space<vmem>>, %arg5: memref<1024x12xf32, #tpu.memory_space<vmem>>) attributes {dimension_semantics = [#tpu.dimension_semantics<arbitrary>], iteration_bounds = array<i64: 1>, scalar_prefetch = 0 : i64, scratch_operands = 0 : i64, tpu.core_type = #tpu.core_type<tc>, window_params = [{pipeline_mode = #tpu.pipeline_mode<synchronous>, transform_indices = @transform_0, window_bounds = array<i64: 4, 32, 128>}, {pipeline_mode = #tpu.pipeline_mode<synchronous>, transform_indices = @transform_1, window_bounds = array<i64: 4, 32, 128>}, {pipeline_mode = #tpu.pipeline_mode<synchronous>, transform_indices = @transform_2, window_bounds = array<i64: 4, 32, 128>}, {pipeline_mode = #tpu.pipeline_mode<synchronous>, transform_indices = @transform_3, window_bounds = array<i64: 1024, 4>}, {pipeline_mode = #tpu.pipeline_mode<synchronous>, transform_indices = @transform_4, window_bounds = array<i64: 1024, 12>}]} {
    %get3A = arith.constant 0 : index
    %get3A_0 = arith.constant 0 : index
    %get3A_1 = arith.constant 0 : index
    %get3A_2 = vector.load %arg1[%get3A, %get3A_0, %get3A_1] : memref<4x32x128xf32, #tpu.memory_space<vmem>>, vector<4x32x128xf32>
    %get3A_3 = arith.constant 0 : index
    %get3A_4 = arith.constant 0 : index
    %get3A_5 = arith.constant 0 : index
    %get3A_6 = vector.load %arg2[%get3A_3, %get3A_4, %get3A_5] : memref<4x32x128xf32, #tpu.memory_space<vmem>>, vector<4x32x128xf32>
    %get3A_7 = arith.constant 0 : index
    %get3A_8 = arith.constant 0 : index
    %get3A_9 = arith.constant 0 : index
    %get3A_10 = vector.load %arg3[%get3A_7, %get3A_8, %get3A_9] : memref<4x32x128xf32, #tpu.memory_space<vmem>>, vector<4x32x128xf32>
    %iota3A = tpu.iota {dimensions = array<i32: 1>} : vector<4x32x128xi32>
    %mul3A = arith.constant 128 : i32
    %mul3A_11 = vector.broadcast %mul3A : i32 to vector<4x32x128xi32>
    %mul3A_12 = arith.muli %iota3A, %mul3A_11 : vector<4x32x128xi32>
    %iota3A_13 = tpu.iota {dimensions = array<i32: 2>} : vector<4x32x128xi32>
    %add3A = arith.addi %mul3A_12, %iota3A_13 : vector<4x32x128xi32>
    %broadcast_in_dim3A = arith.constant 1.000000e+10 : f32
    %broadcast_in_dim3A_14 = vector.broadcast %broadcast_in_dim3A : f32 to vector<4x32x128xf32>
    %broadcast_in_dim3A_15 = arith.constant 0 : i32
    %broadcast_in_dim3A_16 = vector.broadcast %broadcast_in_dim3A_15 : i32 to vector<4x1x1xi32>
    %scan3A = arith.constant 0 : i32
    %scan3A_17 = arith.constant 1024 : i32
    %scan3A_18 = arith.addi %scan3A, %scan3A_17 : i32
    %scan3A_19 = arith.constant 1 : i32
    %scan3A_20:2 = scf.for %scan3A_22 = %scan3A to %scan3A_18 step %scan3A_19 iter_args(%scan3A_23 = %broadcast_in_dim3A_14, %scan3A_24 = %broadcast_in_dim3A_16) -> (vector<4x32x128xf32>, vector<4x1x1xi32>)  : i32 {
      %eq3A = vector.broadcast %scan3A_24 : vector<4x1x1xi32> to vector<4x32x128xi32>
      %eq3A_25 = arith.cmpi eq, %add3A, %eq3A : vector<4x32x128xi32>
      %jit3A = arith.constant 1.000000e+09 : f32
      %broadcast_in_dim3A_26 = vector.broadcast %jit3A : f32 to vector<4x32x128xf32>
      %select_n3A = arith.select %eq3A_25, %get3A_2, %broadcast_in_dim3A_26 : vector<4x32x128xi1>, vector<4x32x128xf32>
      %reduce_min3A = arith.constant dense<0x7F800000> : vector<4xf32>
      %reduce_min3A_27 = vector.multi_reduction <minimumf>, %select_n3A, %reduce_min3A [1, 2] : vector<4x32x128xf32> to vector<4xf32>
      %broadcast_in_dim3A_28 = vector.shape_cast %reduce_min3A_27 : vector<4xf32> to vector<4x1x1xf32>
      %jit3A_29 = arith.constant 1.000000e+09 : f32
      %broadcast_in_dim3A_30 = vector.broadcast %jit3A_29 : f32 to vector<4x32x128xf32>
      %select_n3A_31 = arith.select %eq3A_25, %get3A_6, %broadcast_in_dim3A_30 : vector<4x32x128xi1>, vector<4x32x128xf32>
      %reduce_min3A_32 = arith.constant dense<0x7F800000> : vector<4xf32>
      %reduce_min3A_33 = vector.multi_reduction <minimumf>, %select_n3A_31, %reduce_min3A_32 [1, 2] : vector<4x32x128xf32> to vector<4xf32>
      %broadcast_in_dim3A_34 = vector.shape_cast %reduce_min3A_33 : vector<4xf32> to vector<4x1x1xf32>
      %jit3A_35 = arith.constant 1.000000e+09 : f32
      %broadcast_in_dim3A_36 = vector.broadcast %jit3A_35 : f32 to vector<4x32x128xf32>
      %select_n3A_37 = arith.select %eq3A_25, %get3A_10, %broadcast_in_dim3A_36 : vector<4x32x128xi1>, vector<4x32x128xf32>
      %reduce_min3A_38 = arith.constant dense<0x7F800000> : vector<4xf32>
      %reduce_min3A_39 = vector.multi_reduction <minimumf>, %select_n3A_37, %reduce_min3A_38 [1, 2] : vector<4x32x128xf32> to vector<4xf32>
      %broadcast_in_dim3A_40 = vector.shape_cast %reduce_min3A_39 : vector<4xf32> to vector<4x1x1xf32>
      %squeeze3A = vector.shape_cast %scan3A_24 : vector<4x1x1xi32> to vector<4x1xi32>
      %reshape3A = vector.shape_cast %squeeze3A : vector<4x1xi32> to vector<1x4xi32>
      %swap3A = arith.index_cast %scan3A_22 : i32 to index
      %swap3A_41 = arith.constant 0 : index
      %swap3A_42 = vector.load %arg4[%swap3A, %swap3A_41] : memref<1024x4xi32, #tpu.memory_space<vmem>>, vector<1x4xi32>
      tpu.vector_store %arg4[%swap3A, %swap3A_41], %reshape3A {strides = array<i32>} : memref<1024x4xi32, #tpu.memory_space<vmem>>, vector<1x4xi32>,
      %squeeze3A_43 = vector.shape_cast %broadcast_in_dim3A_28 : vector<4x1x1xf32> to vector<4x1xf32>
      %squeeze3A_44 = vector.shape_cast %broadcast_in_dim3A_34 : vector<4x1x1xf32> to vector<4x1xf32>
      %squeeze3A_45 = vector.shape_cast %broadcast_in_dim3A_40 : vector<4x1x1xf32> to vector<4x1xf32>
      %concatenate3A = tpu.concatenate %squeeze3A_43, %squeeze3A_44, %squeeze3A_45 in 0 : vector<4x1xf32>, vector<4x1xf32>, vector<4x1xf32> -> vector<12x1xf32>
      %reshape3A_46 = vector.shape_cast %concatenate3A : vector<12x1xf32> to vector<1x12xf32>
      %swap3A_47 = arith.index_cast %scan3A_22 : i32 to index
      %swap3A_48 = arith.constant 0 : index
      %swap3A_49 = vector.load %arg5[%swap3A_47, %swap3A_48] : memref<1024x12xf32, #tpu.memory_space<vmem>>, vector<1x12xf32>
      tpu.vector_store %arg5[%swap3A_47, %swap3A_48], %reshape3A_46 {strides = array<i32>} : memref<1024x12xf32, #tpu.memory_space<vmem>>, vector<1x12xf32>,
      %sub3A = vector.broadcast %broadcast_in_dim3A_28 : vector<4x1x1xf32> to vector<4x32x128xf32>
      %sub3A_50 = arith.subf %get3A_2, %sub3A : vector<4x32x128xf32>
      %sub3A_51 = vector.broadcast %broadcast_in_dim3A_34 : vector<4x1x1xf32> to vector<4x32x128xf32>
      %sub3A_52 = arith.subf %get3A_6, %sub3A_51 : vector<4x32x128xf32>
      %sub3A_53 = vector.broadcast %broadcast_in_dim3A_40 : vector<4x1x1xf32> to vector<4x32x128xf32>
      %sub3A_54 = arith.subf %get3A_10, %sub3A_53 : vector<4x32x128xf32>
      %mul3A_55 = arith.mulf %sub3A_50, %sub3A_50 : vector<4x32x128xf32>
      %mul3A_56 = arith.mulf %sub3A_54, %sub3A_54 : vector<4x32x128xf32>
      %add3A_57 = arith.addf %mul3A_55, %mul3A_56 : vector<4x32x128xf32>
      %mul3A_58 = arith.mulf %sub3A_52, %sub3A_52 : vector<4x32x128xf32>
      %add3A_59 = arith.addf %add3A_57, %mul3A_58 : vector<4x32x128xf32>
      %min3A = arith.minimumf %scan3A_23, %add3A_59 : vector<4x32x128xf32>
      %reduce_max3A = arith.constant dense<0xFF800000> : vector<4xf32>
      %reduce_max3A_60 = vector.multi_reduction <maximumf>, %min3A, %reduce_max3A [1, 2] : vector<4x32x128xf32> to vector<4xf32>
      %broadcast_in_dim3A_61 = vector.shape_cast %reduce_max3A_60 : vector<4xf32> to vector<4x1x1xf32>
      %eq3A_62 = vector.broadcast %broadcast_in_dim3A_61 : vector<4x1x1xf32> to vector<4x32x128xf32>
      %eq3A_63 = arith.cmpf oeq, %min3A, %eq3A_62 : vector<4x32x128xf32>
      %jit3A_64 = arith.constant 4096 : i32
      %broadcast_in_dim3A_65 = vector.broadcast %jit3A_64 : i32 to vector<4x32x128xi32>
      %select_n3A_66 = arith.select %eq3A_63, %add3A, %broadcast_in_dim3A_65 : vector<4x32x128xi1>, vector<4x32x128xi32>
      %reduce_min3A_67 = arith.constant dense<2147483647> : vector<4xi32>
      %reduce_min3A_68 = vector.multi_reduction <minsi>, %select_n3A_66, %reduce_min3A_67 [1, 2] : vector<4x32x128xi32> to vector<4xi32>
      %broadcast_in_dim3A_69 = vector.shape_cast %reduce_min3A_68 : vector<4xi32> to vector<4x1x1xi32>
      scf.yield %min3A, %broadcast_in_dim3A_69 : vector<4x32x128xf32>, vector<4x1x1xi32>
    }
    %scan3A_21 = arith.constant 1024 : i32
    return
  }
  func.func @transform_0(%arg0: i32) -> (i32, i32, i32) {
    %c0_i32 = arith.constant 0 : i32
    %c0_i32_0 = arith.constant 0 : i32
    %c0_i32_1 = arith.constant 0 : i32
    %c0_i32_2 = arith.constant 0 : i32
    return %c0_i32, %c0_i32_0, %c0_i32_1 : i32, i32, i32
  }
  func.func @transform_1(%arg0: i32) -> (i32, i32, i32) {
    %c0_i32 = arith.constant 0 : i32
    %c0_i32_0 = arith.constant 0 : i32
    %c0_i32_1 = arith.constant 0 : i32
    %c0_i32_2 = arith.constant 0 : i32
    return %c0_i32, %c0_i32_0, %c0_i32_1 : i32, i32, i32
  }
  func.func @transform_2(%arg0: i32) -> (i32, i32, i32) {
    %c0_i32 = arith.constant 0 : i32
    %c0_i32_0 = arith.constant 0 : i32
    %c0_i32_1 = arith.constant 0 : i32
    %c0_i32_2 = arith.constant 0 : i32
    return %c0_i32, %c0_i32_0, %c0_i32_1 : i32, i32, i32
  }
  func.func @transform_3(%arg0: i32) -> (i32, i32) {
    %c0_i32 = arith.constant 0 : i32
    %c0_i32_0 = arith.constant 0 : i32
    %c0_i32_1 = arith.constant 0 : i32
    return %c0_i32, %c0_i32_0 : i32, i32
  }
  func.func @transform_4(%arg0: i32) -> (i32, i32) {
    %c0_i32 = arith.constant 0 : i32
    %c0_i32_0 = arith.constant 0 : i32
    %c0_i32_1 = arith.constant 0 : i32
    return %c0_i32, %c0_i32_0 : i32, i32
  }
}

module attributes {stable_mosaic.version = 14 : i64} {
  func.func @_dist_body(%arg0: i32, %arg1: memref<256x16xf32, #tpu.memory_space<vmem>>, %arg2: memref<1x16x4096xf32, #tpu.memory_space<vmem>>, %arg3: memref<1x256x4096xf32, #tpu.memory_space<vmem>>) attributes {dimension_semantics = [#tpu.dimension_semantics<arbitrary>], iteration_bounds = array<i64: 16>, scalar_prefetch = 0 : i64, scratch_operands = 0 : i64, tpu.core_type = #tpu.core_type<tc>, window_params = [{transform_indices = @transform_0, window_bounds = array<i64: 256, 16>}, {transform_indices = @transform_1, window_bounds = array<i64: 1, 16, 4096>}, {transform_indices = @transform_2, window_bounds = array<i64: 1, 256, 4096>}]} {
    %iota3A = tpu.iota {dimensions = array<i32: 1>} : vector<256x16xi32>
    %lt3A = arith.constant 3 : i32
    %lt3A_0 = vector.broadcast %lt3A : i32 to vector<256x16xi32>
    %lt3A_1 = arith.cmpi slt, %iota3A, %lt3A_0 : vector<256x16xi32>
    %convert_element_type3A = arith.extui %lt3A_1 : vector<256x16xi1> to vector<256x16xi32>
    %convert_element_type3A_2 = arith.sitofp %convert_element_type3A : vector<256x16xi32> to vector<256x16xf32>
    %get3A = arith.constant 0 : index
    %get3A_3 = arith.constant 0 : index
    %get3A_4 = vector.load %arg1[%get3A, %get3A_3] : memref<256x16xf32, #tpu.memory_space<vmem>>, vector<256x16xf32>
    %mul3A = arith.mulf %get3A_4, %convert_element_type3A_2 : vector<256x16xf32>
    %convert_element_type3A_5 = arith.truncf %mul3A : vector<256x16xf32> to vector<256x16xbf16>
    %get3A_6 = arith.constant 0 : index
    %get3A_7 = arith.constant 0 : index
    %get3A_8 = arith.constant 0 : index
    %get3A_9 = vector.load %arg2[%get3A_6, %get3A_7, %get3A_8] : memref<1x16x4096xf32, #tpu.memory_space<vmem>>, vector<1x16x4096xf32>
    %get3A_10 = vector.shape_cast %get3A_9 : vector<1x16x4096xf32> to vector<16x4096xf32>
    %convert_element_type3A_11 = arith.truncf %get3A_10 : vector<16x4096xf32> to vector<16x4096xbf16>
    %dot_general3A = arith.constant dense<0.000000e+00> : vector<256x4096xf32>
    %dot_general3A_12 = tpu.matmul %convert_element_type3A_5, %convert_element_type3A_11, %dot_general3A {dimension_numbers = #tpu.dot_dimension_numbers<[1], [0], [0], [1], [0, 0, 1, 1], [], []>, transpose_lhs_hint = false} : vector<256x16xbf16>, vector<16x4096xbf16>, vector<256x4096xf32> -> vector<256x4096xf32>
    %get3A_13 = arith.constant 0 : index
    %get3A_14 = arith.constant 4 : index
    %get3A_15 = vector.load %arg1[%get3A_13, %get3A_14] : memref<256x16xf32, #tpu.memory_space<vmem>>, vector<256x1xf32>
    %get3A_16 = arith.constant 0 : index
    %get3A_17 = arith.constant 3 : index
    %get3A_18 = arith.constant 0 : index
    %get3A_19 = vector.load %arg2[%get3A_16, %get3A_17, %get3A_18] : memref<1x16x4096xf32, #tpu.memory_space<vmem>>, vector<1x1x4096xf32>
    %get3A_20 = vector.shape_cast %get3A_19 : vector<1x1x4096xf32> to vector<1x4096xf32>
    %add3A = vector.broadcast %get3A_15 : vector<256x1xf32> to vector<256x4096xf32>
    %add3A_21 = vector.broadcast %get3A_20 : vector<1x4096xf32> to vector<256x4096xf32>
    %add3A_22 = arith.addf %add3A, %add3A_21 : vector<256x4096xf32>
    %add3A_23 = arith.addf %add3A_22, %dot_general3A_12 : vector<256x4096xf32>
    %neg3A = arith.constant 0.000000e+00 : f32
    %neg3A_24 = vector.broadcast %neg3A : f32 to vector<256x4096xf32>
    %neg3A_25 = arith.subf %neg3A_24, %add3A_23 : vector<256x4096xf32>
    %swap3A = arith.constant 0 : index
    %swap3A_26 = arith.constant 0 : index
    %swap3A_27 = arith.constant 0 : index
    %swap3A_28 = vector.load %arg3[%swap3A, %swap3A_26, %swap3A_27] : memref<1x256x4096xf32, #tpu.memory_space<vmem>>, vector<1x256x4096xf32>
    %swap3A_29 = vector.shape_cast %swap3A_28 : vector<1x256x4096xf32> to vector<256x4096xf32>
    %swap3A_30 = vector.shape_cast %neg3A_25 : vector<256x4096xf32> to vector<1x256x4096xf32>
    tpu.vector_store %arg3[%swap3A, %swap3A_26, %swap3A_27], %swap3A_30 {strides = array<i32>} : memref<1x256x4096xf32, #tpu.memory_space<vmem>>, vector<1x256x4096xf32>,
    return
  }
  func.func @transform_0(%arg0: i32) -> (i32, i32) {
    %c0_i32 = arith.constant 0 : i32
    %c0_i32_0 = arith.constant 0 : i32
    return %arg0, %c0_i32 : i32, i32
  }
  func.func @transform_1(%arg0: i32) -> (i32, i32, i32) {
    %jit3A = arith.constant 4 : i32
    %div3A = arith.divsi %arg0, %jit3A : i32
    %sign3A = arith.constant 0 : i32
    %sign3A_0 = arith.cmpi sgt, %arg0, %sign3A : i32
    %sign3A_1 = arith.extui %sign3A_0 : i1 to i32
    %sign3A_2 = arith.constant 0 : i32
    %sign3A_3 = arith.cmpi slt, %arg0, %sign3A_2 : i32
    %sign3A_4 = arith.extui %sign3A_3 : i1 to i32
    %sign3A_5 = arith.subi %sign3A_1, %sign3A_4 : i32
    %sign3A_6 = arith.constant 0 : i32
    %sign3A_7 = arith.cmpi sgt, %jit3A, %sign3A_6 : i32
    %sign3A_8 = arith.extui %sign3A_7 : i1 to i32
    %sign3A_9 = arith.constant 0 : i32
    %sign3A_10 = arith.cmpi slt, %jit3A, %sign3A_9 : i32
    %sign3A_11 = arith.extui %sign3A_10 : i1 to i32
    %sign3A_12 = arith.subi %sign3A_8, %sign3A_11 : i32
    %ne3A = arith.cmpi ne, %sign3A_5, %sign3A_12 : i32
    %rem3A = arith.remsi %arg0, %jit3A : i32
    %ne3A_13 = arith.constant 0 : i32
    %ne3A_14 = arith.cmpi ne, %rem3A, %ne3A_13 : i32
    %and3A = arith.andi %ne3A, %ne3A_14 : i1
    %sub3A = arith.constant 1 : i32
    %sub3A_15 = arith.subi %div3A, %sub3A : i32
    %select_n3A = arith.select %and3A, %sub3A_15, %div3A : i32
    %c0_i32 = arith.constant 0 : i32
    %c0_i32_16 = arith.constant 0 : i32
    %c0_i32_17 = arith.constant 0 : i32
    return %select_n3A, %c0_i32, %c0_i32_16 : i32, i32, i32
  }
  func.func @transform_2(%arg0: i32) -> (i32, i32, i32) {
    %jit3A = arith.constant 4 : i32
    %div3A = arith.divsi %arg0, %jit3A : i32
    %sign3A = arith.constant 0 : i32
    %sign3A_0 = arith.cmpi sgt, %arg0, %sign3A : i32
    %sign3A_1 = arith.extui %sign3A_0 : i1 to i32
    %sign3A_2 = arith.constant 0 : i32
    %sign3A_3 = arith.cmpi slt, %arg0, %sign3A_2 : i32
    %sign3A_4 = arith.extui %sign3A_3 : i1 to i32
    %sign3A_5 = arith.subi %sign3A_1, %sign3A_4 : i32
    %sign3A_6 = arith.constant 0 : i32
    %sign3A_7 = arith.cmpi sgt, %jit3A, %sign3A_6 : i32
    %sign3A_8 = arith.extui %sign3A_7 : i1 to i32
    %sign3A_9 = arith.constant 0 : i32
    %sign3A_10 = arith.cmpi slt, %jit3A, %sign3A_9 : i32
    %sign3A_11 = arith.extui %sign3A_10 : i1 to i32
    %sign3A_12 = arith.subi %sign3A_8, %sign3A_11 : i32
    %ne3A = arith.cmpi ne, %sign3A_5, %sign3A_12 : i32
    %rem3A = arith.remsi %arg0, %jit3A : i32
    %ne3A_13 = arith.constant 0 : i32
    %ne3A_14 = arith.cmpi ne, %rem3A, %ne3A_13 : i32
    %and3A = arith.andi %ne3A, %ne3A_14 : i1
    %sub3A = arith.constant 1 : i32
    %sub3A_15 = arith.subi %div3A, %sub3A : i32
    %select_n3A = arith.select %and3A, %sub3A_15, %div3A : i32
    %jit3A_16 = arith.constant 4 : i32
    %eq3A = arith.constant 0 : i32
    %eq3A_17 = arith.cmpi eq, %jit3A_16, %eq3A : i32
    %jit3A_18 = arith.constant 1 : i32
    %select_n3A_19 = arith.select %eq3A_17, %jit3A_18, %jit3A_16 : i32
    %rem3A_20 = arith.remsi %arg0, %select_n3A_19 : i32
    %ne3A_21 = arith.constant 0 : i32
    %ne3A_22 = arith.cmpi ne, %rem3A_20, %ne3A_21 : i32
    %lt3A = arith.constant 0 : i32
    %lt3A_23 = arith.cmpi slt, %rem3A_20, %lt3A : i32
    %lt3A_24 = arith.constant 0 : i32
    %lt3A_25 = arith.cmpi slt, %select_n3A_19, %lt3A_24 : i32
    %ne3A_26 = arith.xori %lt3A_23, %lt3A_25 : i1
    %and3A_27 = arith.andi %ne3A_26, %ne3A_22 : i1
    %add3A = arith.addi %rem3A_20, %select_n3A_19 : i32
    %select_n3A_28 = arith.select %and3A_27, %add3A, %rem3A_20 : i32
    %c0_i32 = arith.constant 0 : i32
    %c0_i32_29 = arith.constant 0 : i32
    return %select_n3A, %select_n3A_28, %c0_i32 : i32, i32, i32
  }
}

module attributes {stable_mosaic.version = 14 : i64} {
  func.func @_mlp1_body(%arg0: i32, %arg1: memref<512x256xf32, #tpu.memory_space<vmem>>, %arg2: memref<16x16xf32, #tpu.memory_space<vmem>>, %arg3: memref<128x183xf32, #tpu.memory_space<vmem>>, %arg4: memref<16x183xf32, #tpu.memory_space<vmem>>, %arg5: memref<1x183xf32, #tpu.memory_space<vmem>>, %arg6: memref<512x183xf32, #tpu.memory_space<vmem>>, %arg7: memref<2x183xf32, #tpu.memory_space<vmem>>) attributes {dimension_semantics = [#tpu.dimension_semantics<arbitrary>], iteration_bounds = array<i64: 256>, scalar_prefetch = 0 : i64, scratch_operands = 0 : i64, tpu.core_type = #tpu.core_type<tc>, window_params = [{transform_indices = @transform_0, window_bounds = array<i64: 512, 256>}, {transform_indices = @transform_1, window_bounds = array<i64: 16, 16>}, {pipeline_mode = #tpu.pipeline_mode<synchronous>, transform_indices = @transform_2, window_bounds = array<i64: 128, 183>}, {pipeline_mode = #tpu.pipeline_mode<synchronous>, transform_indices = @transform_3, window_bounds = array<i64: 16, 183>}, {pipeline_mode = #tpu.pipeline_mode<synchronous>, transform_indices = @transform_4, window_bounds = array<i64: 1, 183>}, {transform_indices = @transform_5, window_bounds = array<i64: 512, 183>}, {pipeline_mode = #tpu.pipeline_mode<synchronous>, transform_indices = @transform_6, window_bounds = array<i64: 2, 183>}]} {
    %get3A = arith.constant 0 : index
    %get3A_0 = arith.constant 0 : index
    %get3A_1 = vector.load %arg1[%get3A, %get3A_0] : memref<512x256xf32, #tpu.memory_space<vmem>>, vector<512x128xf32>
    %get3A_2 = arith.constant 0 : index
    %get3A_3 = arith.constant 128 : index
    %get3A_4 = vector.load %arg1[%get3A_2, %get3A_3] : memref<512x256xf32, #tpu.memory_space<vmem>>, vector<512x16xf32>
    %reshape3A = vector.shape_cast %get3A_4 : vector<512x16xf32> to vector<16x32x16xf32>
    %get3A_5 = arith.constant 0 : index
    %get3A_6 = arith.constant 0 : index
    %get3A_7 = vector.load %arg2[%get3A_5, %get3A_6] : memref<16x16xf32, #tpu.memory_space<vmem>>, vector<16x16xf32>
    %broadcast_in_dim3A = vector.shape_cast %get3A_7 : vector<16x16xf32> to vector<16x1x16xf32>
    %sub3A = vector.broadcast %broadcast_in_dim3A : vector<16x1x16xf32> to vector<16x32x16xf32>
    %sub3A_8 = arith.subf %reshape3A, %sub3A : vector<16x32x16xf32>
    %reshape3A_9 = vector.shape_cast %sub3A_8 : vector<16x32x16xf32> to vector<512x16xf32>
    %get3A_10 = arith.constant 0 : index
    %get3A_11 = arith.constant 0 : index
    %get3A_12 = vector.load %arg3[%get3A_10, %get3A_11] : memref<128x183xf32, #tpu.memory_space<vmem>>, vector<128x183xf32>
    %dot_general3A = arith.constant dense<0.000000e+00> : vector<512x183xf32>
    %dot_general3A_13 = tpu.matmul %get3A_1, %get3A_12, %dot_general3A {dimension_numbers = #tpu.dot_dimension_numbers<[1], [0], [0], [1], [0, 0, 1, 1], [], []>, transpose_lhs_hint = false} : vector<512x128xf32>, vector<128x183xf32>, vector<512x183xf32> -> vector<512x183xf32>
    %get3A_14 = arith.constant 0 : index
    %get3A_15 = arith.constant 0 : index
    %get3A_16 = vector.load %arg4[%get3A_14, %get3A_15] : memref<16x183xf32, #tpu.memory_space<vmem>>, vector<16x183xf32>
    %dot_general3A_17 = arith.constant dense<0.000000e+00> : vector<512x183xf32>
    %dot_general3A_18 = tpu.matmul %reshape3A_9, %get3A_16, %dot_general3A_17 {dimension_numbers = #tpu.dot_dimension_numbers<[1], [0], [0], [1], [0, 0, 1, 1], [], []>, transpose_lhs_hint = false} : vector<512x16xf32>, vector<16x183xf32>, vector<512x183xf32> -> vector<512x183xf32>
    %add3A = arith.addf %dot_general3A_13, %dot_general3A_18 : vector<512x183xf32>
    %get3A_19 = arith.constant 0 : index
    %get3A_20 = arith.constant 0 : index
    %get3A_21 = vector.load %arg5[%get3A_19, %get3A_20] : memref<1x183xf32, #tpu.memory_space<vmem>>, vector<1x183xf32>
    %add3A_22 = vector.broadcast %get3A_21 : vector<1x183xf32> to vector<512x183xf32>
    %add3A_23 = arith.addf %add3A, %add3A_22 : vector<512x183xf32>
    %swap3A = arith.constant 0 : index
    %swap3A_24 = arith.constant 0 : index
    %swap3A_25 = vector.load %arg6[%swap3A, %swap3A_24] : memref<512x183xf32, #tpu.memory_space<vmem>>, vector<512x183xf32>
    tpu.vector_store %arg6[%swap3A, %swap3A_24], %add3A_23 {strides = array<i32>} : memref<512x183xf32, #tpu.memory_space<vmem>>, vector<512x183xf32>,
    %reduce_sum3A = arith.constant dense<0.000000e+00> : vector<183xf32>
    %reduce_sum3A_26 = vector.multi_reduction <add>, %add3A_23, %reduce_sum3A [0] : vector<512x183xf32> to vector<183xf32>
    %broadcast_in_dim3A_27 = vector.shape_cast %reduce_sum3A_26 : vector<183xf32> to vector<1x183xf32>
    %mul3A = arith.mulf %add3A_23, %add3A_23 : vector<512x183xf32>
    %reduce_sum3A_28 = arith.constant dense<0.000000e+00> : vector<183xf32>
    %reduce_sum3A_29 = vector.multi_reduction <add>, %mul3A, %reduce_sum3A_28 [0] : vector<512x183xf32> to vector<183xf32>
    %broadcast_in_dim3A_30 = vector.shape_cast %reduce_sum3A_29 : vector<183xf32> to vector<1x183xf32>
    %concatenate3A = tpu.concatenate %broadcast_in_dim3A_27, %broadcast_in_dim3A_30 in 0 : vector<1x183xf32>, vector<1x183xf32> -> vector<2x183xf32>
    %eq3A = arith.constant 0 : i32
    %eq3A_31 = arith.cmpi eq, %arg0, %eq3A : i32
    %convert_element_type3A = arith.extui %eq3A_31 : i1 to i32
    %cond3A = arith.constant 0 : i32
    %cond3A_32 = arith.cmpi ne, %convert_element_type3A, %cond3A : i32
    scf.if %cond3A_32 {
      %swap3A_37 = arith.constant 0 : index
      %swap3A_38 = arith.constant 0 : index
      %swap3A_39 = vector.load %arg7[%swap3A_37, %swap3A_38] : memref<2x183xf32, #tpu.memory_space<vmem>>, vector<2x183xf32>
      tpu.vector_store %arg7[%swap3A_37, %swap3A_38], %concatenate3A {strides = array<i32>} : memref<2x183xf32, #tpu.memory_space<vmem>>, vector<2x183xf32>,
    } else {
    }
    %gt3A = arith.constant 0 : i32
    %gt3A_33 = arith.cmpi sgt, %arg0, %gt3A : i32
    %convert_element_type3A_34 = arith.extui %gt3A_33 : i1 to i32
    %cond3A_35 = arith.constant 0 : i32
    %cond3A_36 = arith.cmpi ne, %convert_element_type3A_34, %cond3A_35 : i32
    scf.if %cond3A_36 {
      %get3A_37 = arith.constant 0 : index
      %get3A_38 = arith.constant 0 : index
      %get3A_39 = vector.load %arg7[%get3A_37, %get3A_38] : memref<2x183xf32, #tpu.memory_space<vmem>>, vector<2x183xf32>
      %add3A_40 = arith.addf %get3A_39, %concatenate3A : vector<2x183xf32>
      %swap3A_41 = arith.constant 0 : index
      %swap3A_42 = arith.constant 0 : index
      %swap3A_43 = vector.load %arg7[%swap3A_41, %swap3A_42] : memref<2x183xf32, #tpu.memory_space<vmem>>, vector<2x183xf32>
      tpu.vector_store %arg7[%swap3A_41, %swap3A_42], %add3A_40 {strides = array<i32>} : memref<2x183xf32, #tpu.memory_space<vmem>>, vector<2x183xf32>,
    } else {
    }
    return
  }
  func.func @transform_0(%arg0: i32) -> (i32, i32) {
    %c0_i32 = arith.constant 0 : i32
    %c0_i32_0 = arith.constant 0 : i32
    return %arg0, %c0_i32 : i32, i32
  }
  func.func @transform_1(%arg0: i32) -> (i32, i32) {
    %c0_i32 = arith.constant 0 : i32
    %c0_i32_0 = arith.constant 0 : i32
    return %arg0, %c0_i32 : i32, i32
  }
  func.func @transform_2(%arg0: i32) -> (i32, i32) {
    %c0_i32 = arith.constant 0 : i32
    %c0_i32_0 = arith.constant 0 : i32
    %c0_i32_1 = arith.constant 0 : i32
    return %c0_i32, %c0_i32_0 : i32, i32
  }
  func.func @transform_3(%arg0: i32) -> (i32, i32) {
    %c0_i32 = arith.constant 0 : i32
    %c0_i32_0 = arith.constant 0 : i32
    %c0_i32_1 = arith.constant 0 : i32
    return %c0_i32, %c0_i32_0 : i32, i32
  }
  func.func @transform_4(%arg0: i32) -> (i32, i32) {
    %c0_i32 = arith.constant 0 : i32
    %c0_i32_0 = arith.constant 0 : i32
    %c0_i32_1 = arith.constant 0 : i32
    return %c0_i32, %c0_i32_0 : i32, i32
  }
  func.func @transform_5(%arg0: i32) -> (i32, i32) {
    %c0_i32 = arith.constant 0 : i32
    %c0_i32_0 = arith.constant 0 : i32
    return %arg0, %c0_i32 : i32, i32
  }
  func.func @transform_6(%arg0: i32) -> (i32, i32) {
    %c0_i32 = arith.constant 0 : i32
    %c0_i32_0 = arith.constant 0 : i32
    %c0_i32_1 = arith.constant 0 : i32
    return %c0_i32, %c0_i32_0 : i32, i32
  }
}

module attributes {stable_mosaic.version = 14 : i64} {
  func.func @_mlp2_body(%arg0: i32, %arg1: memref<512x183xf32, #tpu.memory_space<vmem>>, %arg2: memref<2x183xf32, #tpu.memory_space<vmem>>, %arg3: memref<183x256xf32, #tpu.memory_space<vmem>>, %arg4: memref<1x256xf32, #tpu.memory_space<vmem>>, %arg5: memref<1x183xf32, #tpu.memory_space<vmem>>, %arg6: memref<1x183xf32, #tpu.memory_space<vmem>>, %arg7: memref<16x256xf32, #tpu.memory_space<vmem>>, %arg8: memref<2x256xf32, #tpu.memory_space<vmem>>) attributes {dimension_semantics = [#tpu.dimension_semantics<arbitrary>], iteration_bounds = array<i64: 256>, scalar_prefetch = 0 : i64, scratch_operands = 0 : i64, tpu.core_type = #tpu.core_type<tc>, window_params = [{transform_indices = @transform_0, window_bounds = array<i64: 512, 183>}, {pipeline_mode = #tpu.pipeline_mode<synchronous>, transform_indices = @transform_1, window_bounds = array<i64: 2, 183>}, {pipeline_mode = #tpu.pipeline_mode<synchronous>, transform_indices = @transform_2, window_bounds = array<i64: 183, 256>}, {pipeline_mode = #tpu.pipeline_mode<synchronous>, transform_indices = @transform_3, window_bounds = array<i64: 1, 256>}, {pipeline_mode = #tpu.pipeline_mode<synchronous>, transform_indices = @transform_4, window_bounds = array<i64: 1, 183>}, {pipeline_mode = #tpu.pipeline_mode<synchronous>, transform_indices = @transform_5, window_bounds = array<i64: 1, 183>}, {transform_indices = @transform_6, window_bounds = array<i64: 16, 256>}, {pipeline_mode = #tpu.pipeline_mode<synchronous>, transform_indices = @transform_7, window_bounds = array<i64: 2, 256>}]} {
    %get3A = arith.constant 0 : index
    %get3A_0 = arith.constant 0 : index
    %get3A_1 = vector.load %arg2[%get3A, %get3A_0] : memref<2x183xf32, #tpu.memory_space<vmem>>, vector<1x183xf32>
    %div3A = arith.constant 1.310720e+05 : f32
    %div3A_2 = vector.broadcast %div3A : f32 to vector<1x183xf32>
    %div3A_3 = arith.divf %get3A_1, %div3A_2 : vector<1x183xf32>
    %get3A_4 = arith.constant 1 : index
    %get3A_5 = arith.constant 0 : index
    %get3A_6 = vector.load %arg2[%get3A_4, %get3A_5] : memref<2x183xf32, #tpu.memory_space<vmem>>, vector<1x183xf32>
    %div3A_7 = arith.constant 1.310720e+05 : f32
    %div3A_8 = vector.broadcast %div3A_7 : f32 to vector<1x183xf32>
    %div3A_9 = arith.divf %get3A_6, %div3A_8 : vector<1x183xf32>
    %mul3A = arith.mulf %div3A_3, %div3A_3 : vector<1x183xf32>
    %sub3A = arith.subf %div3A_9, %mul3A : vector<1x183xf32>
    %get3A_10 = arith.constant 0 : index
    %get3A_11 = arith.constant 0 : index
    %get3A_12 = vector.load %arg5[%get3A_10, %get3A_11] : memref<1x183xf32, #tpu.memory_space<vmem>>, vector<1x183xf32>
    %add3A = arith.constant 9.99999974E-6 : f32
    %add3A_13 = vector.broadcast %add3A : f32 to vector<1x183xf32>
    %add3A_14 = arith.addf %sub3A, %add3A_13 : vector<1x183xf32>
    %rsqrt3A = math.rsqrt %add3A_14 : vector<1x183xf32>
    %mul3A_15 = arith.mulf %get3A_12, %rsqrt3A : vector<1x183xf32>
    %get3A_16 = arith.constant 0 : index
    %get3A_17 = arith.constant 0 : index
    %get3A_18 = vector.load %arg1[%get3A_16, %get3A_17] : memref<512x183xf32, #tpu.memory_space<vmem>>, vector<512x183xf32>
    %sub3A_19 = vector.broadcast %div3A_3 : vector<1x183xf32> to vector<512x183xf32>
    %sub3A_20 = arith.subf %get3A_18, %sub3A_19 : vector<512x183xf32>
    %mul3A_21 = vector.broadcast %mul3A_15 : vector<1x183xf32> to vector<512x183xf32>
    %mul3A_22 = arith.mulf %sub3A_20, %mul3A_21 : vector<512x183xf32>
    %get3A_23 = arith.constant 0 : index
    %get3A_24 = arith.constant 0 : index
    %get3A_25 = vector.load %arg6[%get3A_23, %get3A_24] : memref<1x183xf32, #tpu.memory_space<vmem>>, vector<1x183xf32>
    %add3A_26 = vector.broadcast %get3A_25 : vector<1x183xf32> to vector<512x183xf32>
    %add3A_27 = arith.addf %mul3A_22, %add3A_26 : vector<512x183xf32>
    %max3A = arith.constant 0.000000e+00 : f32
    %max3A_28 = vector.broadcast %max3A : f32 to vector<512x183xf32>
    %max3A_29 = arith.maximumf %add3A_27, %max3A_28 : vector<512x183xf32>
    %get3A_30 = arith.constant 0 : index
    %get3A_31 = arith.constant 0 : index
    %get3A_32 = vector.load %arg3[%get3A_30, %get3A_31] : memref<183x256xf32, #tpu.memory_space<vmem>>, vector<183x256xf32>
    %dot_general3A = arith.constant dense<0.000000e+00> : vector<512x256xf32>
    %dot_general3A_33 = tpu.matmul %max3A_29, %get3A_32, %dot_general3A {dimension_numbers = #tpu.dot_dimension_numbers<[1], [0], [0], [1], [0, 0, 1, 1], [], []>, transpose_lhs_hint = false} : vector<512x183xf32>, vector<183x256xf32>, vector<512x256xf32> -> vector<512x256xf32>
    %get3A_34 = arith.constant 0 : index
    %get3A_35 = arith.constant 0 : index
    %get3A_36 = vector.load %arg4[%get3A_34, %get3A_35] : memref<1x256xf32, #tpu.memory_space<vmem>>, vector<1x256xf32>
    %add3A_37 = vector.broadcast %get3A_36 : vector<1x256xf32> to vector<512x256xf32>
    %add3A_38 = arith.addf %dot_general3A_33, %add3A_37 : vector<512x256xf32>
    %reduce_sum3A = arith.constant dense<0.000000e+00> : vector<256xf32>
    %reduce_sum3A_39 = vector.multi_reduction <add>, %add3A_38, %reduce_sum3A [0] : vector<512x256xf32> to vector<256xf32>
    %broadcast_in_dim3A = vector.shape_cast %reduce_sum3A_39 : vector<256xf32> to vector<1x256xf32>
    %mul3A_40 = arith.mulf %add3A_38, %add3A_38 : vector<512x256xf32>
    %reduce_sum3A_41 = arith.constant dense<0.000000e+00> : vector<256xf32>
    %reduce_sum3A_42 = vector.multi_reduction <add>, %mul3A_40, %reduce_sum3A_41 [0] : vector<512x256xf32> to vector<256xf32>
    %broadcast_in_dim3A_43 = vector.shape_cast %reduce_sum3A_42 : vector<256xf32> to vector<1x256xf32>
    %concatenate3A = tpu.concatenate %broadcast_in_dim3A, %broadcast_in_dim3A_43 in 0 : vector<1x256xf32>, vector<1x256xf32> -> vector<2x256xf32>
    %reshape3A = vector.shape_cast %add3A_38 : vector<512x256xf32> to vector<16x32x256xf32>
    %reduce_max3A = arith.constant dense<0xFF800000> : vector<16x256xf32>
    %reduce_max3A_44 = vector.multi_reduction <maximumf>, %reshape3A, %reduce_max3A [1] : vector<16x32x256xf32> to vector<16x256xf32>
    %swap3A = arith.constant 0 : index
    %swap3A_45 = arith.constant 0 : index
    %swap3A_46 = vector.load %arg7[%swap3A, %swap3A_45] : memref<16x256xf32, #tpu.memory_space<vmem>>, vector<16x256xf32>
    tpu.vector_store %arg7[%swap3A, %swap3A_45], %reduce_max3A_44 {strides = array<i32>} : memref<16x256xf32, #tpu.memory_space<vmem>>, vector<16x256xf32>,
    %eq3A = arith.constant 0 : i32
    %eq3A_47 = arith.cmpi eq, %arg0, %eq3A : i32
    %convert_element_type3A = arith.extui %eq3A_47 : i1 to i32
    %cond3A = arith.constant 0 : i32
    %cond3A_48 = arith.cmpi ne, %convert_element_type3A, %cond3A : i32
    scf.if %cond3A_48 {
      %swap3A_53 = arith.constant 0 : index
      %swap3A_54 = arith.constant 0 : index
      %swap3A_55 = vector.load %arg8[%swap3A_53, %swap3A_54] : memref<2x256xf32, #tpu.memory_space<vmem>>, vector<2x256xf32>
      tpu.vector_store %arg8[%swap3A_53, %swap3A_54], %concatenate3A {strides = array<i32>} : memref<2x256xf32, #tpu.memory_space<vmem>>, vector<2x256xf32>,
    } else {
    }
    %gt3A = arith.constant 0 : i32
    %gt3A_49 = arith.cmpi sgt, %arg0, %gt3A : i32
    %convert_element_type3A_50 = arith.extui %gt3A_49 : i1 to i32
    %cond3A_51 = arith.constant 0 : i32
    %cond3A_52 = arith.cmpi ne, %convert_element_type3A_50, %cond3A_51 : i32
    scf.if %cond3A_52 {
      %get3A_53 = arith.constant 0 : index
      %get3A_54 = arith.constant 0 : index
      %get3A_55 = vector.load %arg8[%get3A_53, %get3A_54] : memref<2x256xf32, #tpu.memory_space<vmem>>, vector<2x256xf32>
      %add3A_56 = arith.addf %get3A_55, %concatenate3A : vector<2x256xf32>
      %swap3A_57 = arith.constant 0 : index
      %swap3A_58 = arith.constant 0 : index
      %swap3A_59 = vector.load %arg8[%swap3A_57, %swap3A_58] : memref<2x256xf32, #tpu.memory_space<vmem>>, vector<2x256xf32>
      tpu.vector_store %arg8[%swap3A_57, %swap3A_58], %add3A_56 {strides = array<i32>} : memref<2x256xf32, #tpu.memory_space<vmem>>, vector<2x256xf32>,
    } else {
    }
    return
  }
  func.func @transform_0(%arg0: i32) -> (i32, i32) {
    %c0_i32 = arith.constant 0 : i32
    %c0_i32_0 = arith.constant 0 : i32
    return %arg0, %c0_i32 : i32, i32
  }
  func.func @transform_1(%arg0: i32) -> (i32, i32) {
    %c0_i32 = arith.constant 0 : i32
    %c0_i32_0 = arith.constant 0 : i32
    %c0_i32_1 = arith.constant 0 : i32
    return %c0_i32, %c0_i32_0 : i32, i32
  }
  func.func @transform_2(%arg0: i32) -> (i32, i32) {
    %c0_i32 = arith.constant 0 : i32
    %c0_i32_0 = arith.constant 0 : i32
    %c0_i32_1 = arith.constant 0 : i32
    return %c0_i32, %c0_i32_0 : i32, i32
  }
  func.func @transform_3(%arg0: i32) -> (i32, i32) {
    %c0_i32 = arith.constant 0 : i32
    %c0_i32_0 = arith.constant 0 : i32
    %c0_i32_1 = arith.constant 0 : i32
    return %c0_i32, %c0_i32_0 : i32, i32
  }
  func.func @transform_4(%arg0: i32) -> (i32, i32) {
    %c0_i32 = arith.constant 0 : i32
    %c0_i32_0 = arith.constant 0 : i32
    %c0_i32_1 = arith.constant 0 : i32
    return %c0_i32, %c0_i32_0 : i32, i32
  }
  func.func @transform_5(%arg0: i32) -> (i32, i32) {
    %c0_i32 = arith.constant 0 : i32
    %c0_i32_0 = arith.constant 0 : i32
    %c0_i32_1 = arith.constant 0 : i32
    return %c0_i32, %c0_i32_0 : i32, i32
  }
  func.func @transform_6(%arg0: i32) -> (i32, i32) {
    %c0_i32 = arith.constant 0 : i32
    %c0_i32_0 = arith.constant 0 : i32
    return %arg0, %c0_i32 : i32, i32
  }
  func.func @transform_7(%arg0: i32) -> (i32, i32) {
    %c0_i32 = arith.constant 0 : i32
    %c0_i32_0 = arith.constant 0 : i32
    %c0_i32_1 = arith.constant 0 : i32
    return %c0_i32, %c0_i32_0 : i32, i32
  }
}

module attributes {stable_mosaic.version = 14 : i64} {
  func.func @_epi_body(%arg0: i32, %arg1: memref<512x256xf32, #tpu.memory_space<vmem>>, %arg2: memref<2x256xf32, #tpu.memory_space<vmem>>, %arg3: memref<1x256xf32, #tpu.memory_space<vmem>>, %arg4: memref<1x256xf32, #tpu.memory_space<vmem>>, %arg5: memref<512x256xf32, #tpu.memory_space<vmem>>) attributes {dimension_semantics = [#tpu.dimension_semantics<arbitrary>], iteration_bounds = array<i64: 8>, scalar_prefetch = 0 : i64, scratch_operands = 0 : i64, tpu.core_type = #tpu.core_type<tc>, window_params = [{transform_indices = @transform_0, window_bounds = array<i64: 512, 256>}, {pipeline_mode = #tpu.pipeline_mode<synchronous>, transform_indices = @transform_1, window_bounds = array<i64: 2, 256>}, {pipeline_mode = #tpu.pipeline_mode<synchronous>, transform_indices = @transform_2, window_bounds = array<i64: 1, 256>}, {pipeline_mode = #tpu.pipeline_mode<synchronous>, transform_indices = @transform_3, window_bounds = array<i64: 1, 256>}, {transform_indices = @transform_4, window_bounds = array<i64: 512, 256>}]} {
    %get3A = arith.constant 0 : index
    %get3A_0 = arith.constant 0 : index
    %get3A_1 = vector.load %arg2[%get3A, %get3A_0] : memref<2x256xf32, #tpu.memory_space<vmem>>, vector<1x256xf32>
    %div3A = arith.constant 1.310720e+05 : f32
    %div3A_2 = vector.broadcast %div3A : f32 to vector<1x256xf32>
    %div3A_3 = arith.divf %get3A_1, %div3A_2 : vector<1x256xf32>
    %get3A_4 = arith.constant 1 : index
    %get3A_5 = arith.constant 0 : index
    %get3A_6 = vector.load %arg2[%get3A_4, %get3A_5] : memref<2x256xf32, #tpu.memory_space<vmem>>, vector<1x256xf32>
    %div3A_7 = arith.constant 1.310720e+05 : f32
    %div3A_8 = vector.broadcast %div3A_7 : f32 to vector<1x256xf32>
    %div3A_9 = arith.divf %get3A_6, %div3A_8 : vector<1x256xf32>
    %mul3A = arith.mulf %div3A_3, %div3A_3 : vector<1x256xf32>
    %sub3A = arith.subf %div3A_9, %mul3A : vector<1x256xf32>
    %get3A_10 = arith.constant 0 : index
    %get3A_11 = arith.constant 0 : index
    %get3A_12 = vector.load %arg3[%get3A_10, %get3A_11] : memref<1x256xf32, #tpu.memory_space<vmem>>, vector<1x256xf32>
    %add3A = arith.constant 9.99999974E-6 : f32
    %add3A_13 = vector.broadcast %add3A : f32 to vector<1x256xf32>
    %add3A_14 = arith.addf %sub3A, %add3A_13 : vector<1x256xf32>
    %rsqrt3A = math.rsqrt %add3A_14 : vector<1x256xf32>
    %mul3A_15 = arith.mulf %get3A_12, %rsqrt3A : vector<1x256xf32>
    %get3A_16 = arith.constant 0 : index
    %get3A_17 = arith.constant 0 : index
    %get3A_18 = vector.load %arg1[%get3A_16, %get3A_17] : memref<512x256xf32, #tpu.memory_space<vmem>>, vector<512x256xf32>
    %sub3A_19 = vector.broadcast %div3A_3 : vector<1x256xf32> to vector<512x256xf32>
    %sub3A_20 = arith.subf %get3A_18, %sub3A_19 : vector<512x256xf32>
    %mul3A_21 = vector.broadcast %mul3A_15 : vector<1x256xf32> to vector<512x256xf32>
    %mul3A_22 = arith.mulf %sub3A_20, %mul3A_21 : vector<512x256xf32>
    %get3A_23 = arith.constant 0 : index
    %get3A_24 = arith.constant 0 : index
    %get3A_25 = vector.load %arg4[%get3A_23, %get3A_24] : memref<1x256xf32, #tpu.memory_space<vmem>>, vector<1x256xf32>
    %add3A_26 = vector.broadcast %get3A_25 : vector<1x256xf32> to vector<512x256xf32>
    %add3A_27 = arith.addf %mul3A_22, %add3A_26 : vector<512x256xf32>
    %max3A = arith.constant 0.000000e+00 : f32
    %max3A_28 = vector.broadcast %max3A : f32 to vector<512x256xf32>
    %max3A_29 = arith.maximumf %add3A_27, %max3A_28 : vector<512x256xf32>
    %swap3A = arith.constant 0 : index
    %swap3A_30 = arith.constant 0 : index
    %swap3A_31 = vector.load %arg5[%swap3A, %swap3A_30] : memref<512x256xf32, #tpu.memory_space<vmem>>, vector<512x256xf32>
    tpu.vector_store %arg5[%swap3A, %swap3A_30], %max3A_29 {strides = array<i32>} : memref<512x256xf32, #tpu.memory_space<vmem>>, vector<512x256xf32>,
    return
  }
  func.func @transform_0(%arg0: i32) -> (i32, i32) {
    %c0_i32 = arith.constant 0 : i32
    %c0_i32_0 = arith.constant 0 : i32
    return %arg0, %c0_i32 : i32, i32
  }
  func.func @transform_1(%arg0: i32) -> (i32, i32) {
    %c0_i32 = arith.constant 0 : i32
    %c0_i32_0 = arith.constant 0 : i32
    %c0_i32_1 = arith.constant 0 : i32
    return %c0_i32, %c0_i32_0 : i32, i32
  }
  func.func @transform_2(%arg0: i32) -> (i32, i32) {
    %c0_i32 = arith.constant 0 : i32
    %c0_i32_0 = arith.constant 0 : i32
    %c0_i32_1 = arith.constant 0 : i32
    return %c0_i32, %c0_i32_0 : i32, i32
  }
  func.func @transform_3(%arg0: i32) -> (i32, i32) {
    %c0_i32 = arith.constant 0 : i32
    %c0_i32_0 = arith.constant 0 : i32
    %c0_i32_1 = arith.constant 0 : i32
    return %c0_i32, %c0_i32_0 : i32, i32
  }
  func.func @transform_4(%arg0: i32) -> (i32, i32) {
    %c0_i32 = arith.constant 0 : i32
    %c0_i32_0 = arith.constant 0 : i32
    return %arg0, %c0_i32 : i32, i32
  }
}

</mosaic_0001>

<sc_bundles>
// kernel: gather_offload_async_start
scs
__scs_entry_jumppad:
0x0: {  	(pc) =	sbr.rel $0x88, $3  }
0x1: {  	(tag) =	ssettag $0x0;
	lr =	simm.s32 $0x1  }
0x2: {  	[smem:$0x3F97] =	sst lr;
	_ =	strace $0xD0000000  }
0x3: {  	_ = 	snop  }
0x4: {  	_ = 	snop  }
0x5: {  	_ = 	snop  }
0x6: {  	_ = 	snop  }
0x7: {  	_ = 	snop  }
__scs_overlays_trampoline_lowered:
0x8: {  	[smem:$0x3FA6] =	sst s0  }
0x9: {  	[smem:$0x3FA7] =	sst s1  }
0xa: {  	[smem:$0x3FA8] =	sst s2  }
0xb: {  	[smem:$0x3FA9] =	sst s3  }
0xc: {  	[smem:$0x3FAA] =	sst s4  }
0xd: {  	[smem:$0x3FAB] =	sst s5  }
0xe: {  	[smem:$0x3FAC] =	sst s6  }
0xf: {  	[smem:$0x3FAD] =	sst s7  }
0x10: {  	[smem:$0x3FAE] =	sst s8  }
0x11: {  	[smem:$0x3FAF] =	sst s9;
	s0 =	simm.s32 @!p0 $0x0  }
0x12: {  	s1 =	sld [smem:$0x3F95];
	s0 =	simm.s32 @p0 $0x1  }
0x13: {  	[smem:$0x3FB0] =	sst s0;
	s0 =	simm.s32 @!p1 $0x0  }
0x14: {  	s2 =	sld [smem:$0x3F94];
	s0 =	simm.s32 @p1 $0x1  }
0x15: {  	[smem:$0x3FB1] =	sst s0;
	s0 =	simm.s32 @!p2 $0x0  }
0x16: {  	s3 =	sld [smem:$0x3FDB];
	s0 =	simm.s32 @p2 $0x1  }
0x17: {  	s4 =	simm.s32 $0x1BF5;
	[smem:$0x3FB3] =	sst s0  }
0x18: {  	s0 =	sld [smem:$0x3F96];
	_ =	swait.ge [sflag:s4], $0x0  }
0x19: {  	s7 =	sld [smem:$0x3F97]  }
0x1a: {  	s8 =	sadd.s32 $0xFFFFE003, lr  }
0x1b: {  	s9 =	sadd.s32 $0xFFFFFEF7, lr;
	s5 =	simm.s32 $0xFFFFFFFF;
	p2 =	slt.u32 s8, $0xFFFFF086  }
0x1c: {  	p1 =	slt.u32 s9, $0xF7A;
	s5 =	simm.s32 @!p2 $0x0  }
0x1d: {  	s5 =	simm.s32 @p1 $0x1;
	p0 =	seq.s32 s7, s2  }
0x1e: {  	s7 =	smul.u32 @!p0 $0xF7A, s2;
	p2 =	seq.s32 @!p0 s5, $0x0  }
0x1f: {  	s9 =	smul.u32 $0xF7A, s1;
	s8 =	simm.s32 @!p0 $0x1BF5;
	p2 =	por !p2, p0  }
0x20: {  	[sflag:s8] =	ssyncset.s32 @!p0 $0xFFFFF086;
	s6 =	sadd.s32 @!p0 s3, s7;
	s7 =	simm.s32 @!p0 $0x108  }
0x21: {  	s3 =	sadd.s32 s3, s9;
	s6 =	sadd.s32 @!p0 $0x88, s6;
	s7 =	simm.s32 @p2 $0x1082  }
0x22: {  	[simem:s7], [sflag:s8] =	dma.local @!p0 [hbm:s6], $0xF7A  }
0x23: {  	s9 =	sor.u32 $0xD0000000, s2;
	s6 =	simm.s32 $0x108;
	_ =	swait.ge @!p0 [sflag:s8], $0x0  }
0x24: {  	s3 =	sadd.s32 $0x88, s3;
	s6 =	simm.s32 @!p1 $0x1082;
	[sflag:s4] =	ssyncset.s32 $0xFFFFF086  }
0x25: {  	[simem:s6], [sflag:s4] =	dma.local [hbm:s3], $0xF7A  }
0x26: {  	[smem:$0x3F97] =	sst s1;
	(tag) =	ssettag s2;
	_ =	strace s9  }
0x27: {  	s1 =	sld [smem:$0x3FA7]  }
0x28: {  	s2 =	sld [smem:$0x3FA8]  }
0x29: {  	s4 =	sld [smem:$0x3FAA]  }
0x2a: {  	p0 =	seq.s32 s5, $0x0;
	s5 =	sld [smem:$0x3FAB]  }
0x2b: {  	s6 =	sld [smem:$0x3FAC]  }
0x2c: {  	s7 =	sld [smem:$0x3FAD]  }
0x2d: {  	s3 =	simm.s32 $0x108;
	s8 =	sld [smem:$0x3FAE]  }
0x2e: {  	s3 =	simm.s32 @!p0 $0x1082;
	s9 =	sld [smem:$0x3FAF]  }
0x2f: {  	lr =	sadd.s32 s0, s3;
	s0 =	sld [smem:$0x3FA6]  }
0x30: {  	s3 =	sld [smem:$0x3FA9]  }
0x31: {  	[smem:$0x3FB2] =	sst s10  }
0x32: {  	s10 =	sld [smem:$0x3FB0];
	_ =	sdelay $0x3  }
0x33: {  	p0 =	seq.s32 s10, $0x1;
	s10 =	sld [smem:$0x3FB2];
	_ =	sdelay $0x3  }
0x34: {  	[smem:$0x3FB2] =	sst s10  }
0x35: {  	s10 =	sld [smem:$0x3FB1];
	_ =	sdelay $0x3  }
0x36: {  	p1 =	seq.s32 s10, $0x1;
	s10 =	sld [smem:$0x3FB2];
	_ =	sdelay $0x3  }
0x37: {  	[smem:$0x3FB2] =	sst s10  }
0x38: {  	s10 =	sld [smem:$0x3FB3]  }
0x39: {  	_ = 	snop;
	(pc) =	sbr.ind lr, $3  }
0x3a: {  	_ = 	snop  }
0x3b: {  	_ = 	snop  }
0x3c: {  	p2 =	seq.s32 s10, $0x1;
	s10 =	sld [smem:$0x3FB2]  }
0x3d: {  	_ =	shalt  }
0x3e: {  	_ =	shalt  }
0x3f: {  	_ =	shalt  }
0x40: {  	_ =	shalt  }
0x41: {  	_ =	shalt  }
0x42: {  	_ =	shalt  }
0x43: {  	_ =	shalt  }
0x44: {  	_ =	shalt  }
0x45: {  	_ =	shalt  }
0x46: {  	_ =	shalt  }
0x47: {  	_ =	shalt  }
0x48: {  	_ =	shalt  }
0x49: {  	_ =	shalt  }
0x4a: {  	_ =	shalt  }
0x4b: {  	_ =	shalt  }
0x4c: {  	_ =	shalt  }
0x4d: {  	_ =	shalt  }
0x4e: {  	_ =	shalt  }
0x4f: {  	_ =	shalt  }
0x50: {  	_ =	shalt  }
0x51: {  	_ =	shalt  }
0x52: {  	_ =	shalt  }
0x53: {  	_ =	shalt  }
0x54: {  	_ =	shalt  }
0x55: {  	_ =	shalt  }
0x56: {  	_ =	shalt  }
0x57: {  	_ =	shalt  }
0x58: {  	_ =	shalt  }
0x59: {  	_ =	shalt  }
0x5a: {  	_ =	shalt  }
0x5b: {  	_ =	shalt  }
0x5c: {  	_ =	shalt  }
0x5d: {  	_ =	shalt  }
0x5e: {  	_ =	shalt  }
0x5f: {  	_ =	shalt  }
0x60: {  	_ =	shalt  }
0x61: {  	_ =	shalt  }
0x62: {  	_ =	shalt  }
0x63: {  	_ =	shalt  }
0x64: {  	_ =	shalt  }
0x65: {  	_ =	shalt  }
0x66: {  	_ =	shalt  }
0x67: {  	_ =	shalt  }
0x68: {  	_ =	shalt  }
0x69: {  	_ =	shalt  }
0x6a: {  	_ =	shalt  }
0x6b: {  	_ =	shalt  }
0x6c: {  	_ =	shalt  }
0x6d: {  	_ =	shalt  }
0x6e: {  	_ =	shalt  }
0x6f: {  	_ =	shalt  }
0x70: {  	_ =	shalt  }
0x71: {  	_ =	shalt  }
0x72: {  	_ =	shalt  }
0x73: {  	_ =	shalt  }
0x74: {  	_ =	shalt  }
0x75: {  	_ =	shalt  }
0x76: {  	_ =	shalt  }
0x77: {  	_ =	shalt  }
0x78: {  	_ =	shalt  }
0x79: {  	_ =	shalt  }
0x7a: {  	_ =	shalt  }
0x7b: {  	_ =	shalt  }
0x7c: {  	_ =	shalt  }
0x7d: {  	_ =	shalt  }
0x7e: {  	_ =	shalt  }
0x7f: {  	_ =	shalt  }
0x80: {  	_ =	shalt  }
0x81: {  	_ =	shalt  }
0x82: {  	_ =	shalt  }
0x83: {  	_ =	shalt  }
0x84: {  	_ =	shalt  }
0x85: {  	_ =	shalt  }
0x86: {  	_ =	shalt  }
0x87: {  	_ =	shalt  }
.Lfunc_end0:
.L_simem_size_0:
called_computation_lowered:
.L_overlay_start_0:
0x88: {  	s2 =	sld [smem:$0x3FD9]  }
0x89: {  	s3 =	sld [smem:$0x3FFE];
	_ =	sdelay $0x1  }
0x8a: {  	s1 =	srdreg.scid  }
0x8b: {  	s0 =	sand.u32 $0x1, s1  }
0x8c: {  	s14 =	sshll.u32 s0, $0xA;
	s2 =	sadd.s32 s3, s2  }
0x8d: {  	s2 =	sadd.s32 s2, s14  }
0x8e: {  	[smem:$0x3FBE] =	sst s2  }
0x8f: {  	_ = 	snop  }
0x90: {  	s2 =	sld [smem:$0x3FD0];
	_ =	sdelay $0x2  }
0x91: {  	s15 =	simm.s32 $0xA;
	s4 =	simm.s32 $0x10  }
0x92: {  	[smem:s4], [sflag:s15] =	dma.local [hbm:s2], $0x1  }
0x93: {  	_ =	swait.eq [sflag:s15], $0x1  }
0x94: {  	[sflag:s15] =	ssyncset.done $0x0  }
0x95: {  	[sflag:s15] =	ssyncadd.s32 $0xFFFFFFFF  }
0x96: {  	s16 =	sld [smem:$0x11];
	(tm) =	ssettm $0x1  }
0x97: {  	s17 =	sld [smem:$0x3FFB];
	_ =	sdelay $0x3  }
0x98: {  	_ =	strace s17  }
0x99: {  	s3 =	sld [smem:$0x3FFC];
	_ =	sdelay $0x3  }
0x9a: {  	_ =	strace s3  }
0x9b: {  	s3 =	sld [smem:$0x3FFD];
	_ =	sdelay $0x3  }
0x9c: {  	_ =	strace s3  }
0x9d: {  	_ =	strace $0x8FFFFFFF  }
0x9e: {  	s18 =	sld [smem:$0x3FDB];
	_ =	sdelay $0x1  }
0x9f: {  	s19 =	simm.s32 $_scs_section_size  }
0xa0: {  	s5 =	simm.s32 $_size__tile_overlayer_lowered;
	s6 =	simm.s32 $_tile_overlayer_lowered  }
0xa1: {  	s22 =	simm.s32 $0x1BFF;
	s21 =	sshll.u32 s6, $0x1;
	s3 =	sadd.s32 s19, s18  }
0xa2: {  	s7 =	simm.s32 $0x0;
	s20 =	sshll.u32 s5, $0x1;
	s5 =	sadd.s32 s21, s3  }
0xa3: {  	[timem:s7], [sflag:s22] =	dma.local [hbm:s5], s20  }
0xa4: {  	_ =	swait.ge [sflag:s22], s20  }
0xa5: {  	s4 =	ssub.s32 $0x0, s20;
	[sflag:s22] =	ssyncset.done $0x0  }
0xa6: {  	[sflag:s22] =	ssyncadd.s32 s4;
	_ =	sdelay $0x1  }
0xa7: {  	s23 =	simm.s32 $0x1B8B  }
0xa8: {  	_ =	swait.ge [sflag:s23], $0x1  }
0xa9: {  	[sflag:s23] =	ssyncset.done $0x0  }
0xaa: {  	s25 =	simm.s32 $0x1B8E;
	s24 =	sld [smem:$0x3FFE];
	[sflag:s23] =	ssyncadd.s32 $0xFFFFFFFF  }
0xab: {  	s26 =	simm.s32 $execute0_lowered;
	[smem:$0x3FD2] =	sst s25  }
0xac: {  	s5 =	sshll.u32 s26, $0x1;
	_ =	strace $0x80000046;
	[dreg:$0x1] =	wrdreg $0xFFFFFFFF  }
0xad: {  	s28 =	simm.s32 $_size_execute0_lowered;
	s3 =	sadd.s32 s3, s5;
	[dreg:$0x0] =	wrdreg $0x0  }
0xae: {  	s5 =	sshll.u32 s28, $0x1;
	[dreg:$0x2] =	wrdreg s3  }
0xaf: {  	[dreg:$0x3] =	wrdreg s5  }
0xb0: {  	[dreg:$0x4] =	wrdreg $0xC0  }
0xb1: {  	_ =	task [dreg:s7], $0x5FFFF  }
0xb2: {  	[dreg:$0x1] =	wrdreg $0xFFFFFFFF  }
0xb3: {  	[dreg:$0x0] =	wrdreg $0x60  }
0xb4: {  	[dreg:$0x2] =	wrdreg s16  }
0xb5: {  	[dreg:$0x3] =	wrdreg s24  }
0xb6: {  	[dreg:$0x4] =	wrdreg $0x9  }
0xb7: {  	_ =	task.clear_ibuf [dreg:s7], $0x5FFFF;
	_ =	strace $0x90000046  }
0xb8: {  	s29 =	simm.s32 $0x9;
	_ =	strace $0x80000048  }
0xb9: {  	_ =	swait.ge [sflag:s29], $0x1  }
0xba: {  	[sflag:s29] =	ssyncadd.s32 $0xFFFFFFFF  }
0xbb: {  	_ =	strace $0x90000048  }
0xbc: {  	_ =	sfence  }
0xbd: {  	s30 =	sld [smem:$0x0];
	_ =	sdelay $0x2  }
0xbe: {  	s31 =	sshll.u32 s1, $0xD;
	s1 =	sshrl.u32 s1, $0x2  }
0xbf: {  	s3 =	sand.u32 $0x4000, s31;
	s1 =	sadd.s32 s1, s30  }
0xc0: {  	s0 =	sor.u32 s3, s0;
	s1 =	sshll.u32 s1, $0x11  }
0xc1: {  	s0 =	sor.u32 s1, s0  }
0xc2: {  	s0 =	sadd.s32 $0x8F2B, s0  }
0xc3: {  	[sflag:s0] =	ssyncadd.remote.s32 $0x1  }
0xc4: {  	_ =	sfence.sel $0xFFFF  }
0xc5: {  	[dreg:$0x0] =	wrdreg $0xFFFFFFFF;
	(pc) =	sbr.abs _section_cstart, $3  }
0xc6: {  	[dreg:$0x1] =	wrdreg $0xFFFFFFFF  }
0xc7: {  	_ =	task.clear_ibuf [dreg:s7], $0x2FFFF;
	_ =	strace $0x9FFFFFFF  }
0xc8: {  	(tm) =	ssettm $0x7FFFFFFF  }
0xc9: {  	_ =	shalt  }
tec
execute0_lowered:
.L_overlay_start_1:
0x0: {  	(tag) =	ssettag $0x1  }
0x1: {  	s1 =	srdreg.scid;
	s2 =	rddreg [dreg:$0x0]  }
0x2: {  	s0 =	stileid.u32;
	s5 =	rddreg [dreg:$0x1];
	s6 =	simm.s32 $0x1  }
0x3: {  	s9 =	simm.s32 $0x1;
	s10 =	simm.s32 $0x3;
	s1 =	sshll.u32 s1, $0x6  }
0x4: {  	s13 =	simm.s32 $0x0;
	s3 =	sshll.u32 s0, $0x7;
	s4 =	sand.u32 $0x40, s1  }
0x5: {  	s12 =	simm.s32 $0x0;
	s1 =	rddreg [dreg:$0x2];
	s3 =	sor.u32 s3, s4  }
0x6: {  	_ =	strace $0x80000047;
	s4 =	sadd.s32 $0xA00, s5;
	s8 =	ssub.s32 $0x1000, s3  }
.Ltmp0:
0x7: {  	s5 =	sadd.s32 $0x80C00, s5;
	s7 =	sand.u32 $0x7C0, s8;
	(pc) =	sbr.rel .LBB2_1-.Ltmp0, $4  }
0x8: {  	[sflag:s6] =	ssyncpa.u1 $0x0;
	s11 =	smov.u32 s3;
	p0 =	sne.s32 s7, $0x0  }
0x9: {  	s8 =	sshrl.u32 s8, $0xB;
	s7 =	simm.s32 $0x2;
	s9 =	simm.s32 @!p0 $0x0  }
0xa: {  	[sflag:s7] =	ssyncpa.u1 $0x0;
	p0 =	por $0x0, $0x0;
	s8 =	sadd.s32 s9, s8  }
0xb: {  	vm0 =	vmmov $0xffff;
	[sflag:s10] =	ssyncpa.u1 $0x0;
	s10 =	simm.s32 $0x0;
	s9 =	sadd.s32 $0x1, s8  }
.LBB2_4:
0xc: {  	vm1 =	veq.s32 v1, $0x80000000;
	v2 =	vand.u32 $0xFFF, v2  }
0xd: {  	v63 =	vand.u32 $0x3, v1;
	v2 =	vsel vm1, $0xFFFFFFFF, v2  }
0xe: {  	v1 =	vsel vm1, $0xFFFFFFFF, v63;
	v3 =	vshll.u32 v2, $0x2  }
0xf: {  	v4 =	vand.u32 $0xFFFFC000, v1;
	v1 =	vshll.u32 v1, $0x7;
	v3 =	vand.u32 $0xFFFFFE00, v3  }
0x10: {  	v1 =	vand.u32 $0x180, v1;
	v3 =	vadd.s32 v4, v3  }
0x11: {  	v2 =	vand.u32 $0x7F, v2;
	v1 =	vor.u32 v1, v3  }
0x12: {  	v1 =	vor.u32 v2, v1;
	_ =	sdelay $0x1  }
0x13: {  	(ifvalue) =	ssetifvalue $0x7FFFFFFF;
	s14 =	sadd.s32 $0x10, s14  }
0x14: {  	[tilespmem:s14], [sflag:$0x1] =	stream.indirect_vreg.gather [hbm4b:s2+s10], $0x1, v0, vm0, $0x4038;
	[tilespmem:$0x100] =	vst v63  }
0x15: {  	(ifvalue) =	ssetifvalue $0x7FFFFFFF;
	s14 =	sadd.s32 $0x10, s14  }
0x16: {  	[tilespmem:s14], [sflag:$0x1] =	stream.indirect_vreg.gather [hbm4b:s2+s10], $0x1, v1, vm0, $0x4038;
	[tilespmem:$0x100] =	vst v63  }
0x17: {  	_ =	swait.ge [sflag:s6], $0x40  }
0x18: {  	s30 =	sshrl.u32 s13, $0x3;
	[sflag:s6] =	ssyncset.done $0x0  }
0x19: {  	s31 =	sand.u32 $0x7, s13;
	s14 =	sadd.s32 s5, s30;
	[sflag:s6] =	ssyncadd.s32 $0xFFFFFFC0  }
0x1a: {  	[hbm4b:s14+s31] =	stream.linear.scatter [tilespmem:s15], [sflag:$0x3], $0x40, $0x38;
	[tilespmem:$0x100] =	vst v63  }
.LBB2_5:
0x1b: {  	s15 =	sadd.s32 $0x800, s11  }
0x1c: {  	p2 =	sgt.s32 s15, $0xFFF  }
0x1d: {  	s15 =	smov.u32 @p2 s3;
	p2 =	sne.s32 s12, s9  }
.Ltmp1:
0x1e: {  	p1 =	slt.u32 s12, $0x2;
	(pc) =	sbr.rel @!p2 .LBB2_6-.Ltmp1, $4  }
0x1f: {  	s14 =	simm.s32 @!p1 $0x3  }
0x20: {  	s16 =	sadd.s32 $0x1, s12;
	_ =	swait.ge @!p1 [sflag:s14], $0x40  }
0x21: {  	s13 =	smov.u32 s11;
	p0 =	por !p0, !p0;
	[sflag:s14] =	ssyncset.done @!p1 $0x0  }
0x22: {  	s12 =	smov.u32 s16;
	s11 =	smov.u32 s15;
	[sflag:s14] =	ssyncadd.s32 @!p1 $0xFFFFFFC0  }
.LBB2_1:
0x23: {  	p1 =	sge.u32 s12, s8  }
0x24: {  	s14 =	sxor.u32 @!p1 $0xFFFFFFFF, s12  }
0x25: {  	s31 =	sadd.s32 $0xFFFFFFFF, s12;
	s15 =	sshrl.u32 @!p1 s11, $0x3;
	s14 =	sshll.u32 @!p1 s14, $0x6  }
0x26: {  	s16 =	sand.u32 @!p1 $0x7, s11;
	s15 =	sadd.s32 @!p1 s4, s15;
	s14 =	sand.u32 @!p1 $0x40, s14  }
0x27: {  	[tilespmem:s14], [sflag:$0x2] =	stream.linear.gather @!p1 [hbm4b:s15+s16], $0x40, $0x38;
	[tilespmem:$0x100] =	vst v63  }
0x28: {  	p1 =	sge.u32 s31, s8  }
.Ltmp2:
0x29: {  	_ = 	snop;
	(pc) =	sbr.rel @p1 .LBB2_5-.Ltmp2, $1  }
0x2a: {  	_ =	sdelay $0x3  }
0x2b: {  	s14 =	simm.s32 $0x1  }
0x2c: {  	_ =	swait.ge [sflag:s7], $0x40;
	s14 =	simm.s32 @!p0 $0x0  }
0x2d: {  	[sflag:s7] =	ssyncset.done $0x0;
	s14 =	sshll.u32 s14, $0x6  }
0x2e: {  	[sflag:s7] =	ssyncadd.s32 $0xFFFFFFC0;
	(ifvalue) =	ssetifvalue $0x7FFFFFFF;
	v0 =	vld.msk [tilespmem:s14+$0x0 ss:$0x1], $0xffff;
	_ =	sdelay $0x4  }
0x2f: {  	s15 =	sadd.s32 $0x10, s14;
	v1 =	vshrl.u32 v0, $0x2  }
0x30: {  	v2 =	vld.msk [tilespmem:s15+$0x0 ss:$0x1], $0xffff;
	vm1 =	veq.s32 v0, $0x80000000;
	v1 =	vand.u32 $0xFFF, v1  }
0x31: {  	v0 =	vand.u32 $0x3, v0;
	v1 =	vsel vm1, $0xFFFFFFFF, v1  }
0x32: {  	v0 =	vsel vm1, $0xFFFFFFFF, v0;
	v3 =	vshll.u32 v1, $0x2  }
0x33: {  	v4 =	vand.u32 $0xFFFFC000, v0;
	v0 =	vshll.u32 v0, $0x7;
	v3 =	vand.u32 $0xFFFFFE00, v3  }
0x34: {  	v0 =	vand.u32 $0x180, v0;
	v3 =	vadd.s32 v4, v3  }
0x35: {  	v1 =	vand.u32 $0x7F, v1;
	v0 =	vor.u32 v0, v3;
	v3 =	vshrl.u32 v2, $0x2  }
0x36: {  	s17 =	sadd.s32 $0x10, s15;
	vm1 =	veq.s32 v2, $0x80000000;
	v0 =	vor.u32 v1, v0;
	v3 =	vand.u32 $0xFFF, v3  }
0x37: {  	v2 =	vand.u32 $0x3, v2;
	v1 =	vld.msk [tilespmem:s17+$0x0 ss:$0x1], $0xffff;
	v3 =	vsel vm1, $0xFFFFFFFF, v3  }
0x38: {  	v2 =	vsel vm1, $0xFFFFFFFF, v2;
	v63 =	vshll.u32 v3, $0x2  }
0x39: {  	s31 =	sshll.u32 s12, $0x6;
	v5 =	vand.u32 $0xFFFFC000, v2;
	v2 =	vshll.u32 v2, $0x7;
	v4 =	vand.u32 $0xFFFFFE00, v63  }
0x3a: {  	s14 =	sor.u32 $0x80, s14;
	s15 =	sand.u32 $0x40, s31;
	(ifvalue) =	ssetifvalue $0x7FFFFFFF;
	v2 =	vand.u32 $0x180, v2;
	v4 =	vadd.s32 v5, v4  }
0x3b: {  	[tilespmem:s14], [sflag:$0x1] =	stream.indirect_vreg.gather [hbm4b:s2+s10], $0x1, v0, vm0, $0x4038;
	v0 =	vand.u32 $0x7F, v3;
	v3 =	vor.u32 v2, v4;
	[tilespmem:$0x100] =	vst v63  }
0x3c: {  	s16 =	simm.s32 $0x20;
	s15 =	sor.u32 $0x80, s15;
	s17 =	sadd.s32 $0x10, s17;
	v2 =	vshrl.u32 v1, $0x2;
	v0 =	vor.u32 v0, v3  }
.LBB2_3:
0x3d: {  	v3 =	vld.msk [tilespmem:s17+$0x0 ss:$0x1], $0xffff;
	s16 =	sadd.s32 $0x10, s16;
	vm1 =	veq.s32 v1, $0x80000000;
	v2 =	vand.u32 $0xFFF, v2  }
0x3e: {  	v1 =	vand.u32 $0x3, v1;
	p1 =	slt.u32 s16, $0x30;
	v2 =	vsel vm1, $0xFFFFFFFF, v2  }
.Ltmp3:
0x3f: {  	v1 =	vsel vm1, $0xFFFFFFFF, v1;
	v4 =	vshll.u32 v2, $0x2;
	(pc) =	sbr.rel @p1 .LBB2_3-.Ltmp3, $4  }
0x40: {  	s14 =	sadd.s32 $0x10, s14;
	v5 =	vand.u32 $0xFFFFC000, v1;
	v1 =	vshll.u32 v1, $0x7;
	v4 =	vand.u32 $0xFFFFFE00, v4;
	(ifvalue) =	ssetifvalue $0x7FFFFFFF  }
0x41: {  	v4 =	vadd.s32 v5, v4;
	v5 =	vand.u32 $0x180, v1;
	[tilespmem:s14], [sflag:$0x1] =	stream.indirect_vreg.gather [hbm4b:s2+s10], $0x1, v0, vm0, $0x4038;
	[tilespmem:$0x100] =	vst v63  }
0x42: {  	v0 =	vand.u32 $0x7F, v2;
	v4 =	vor.u32 v5, v4  }
0x43: {  	s17 =	sadd.s32 $0x10, s17;
	v2 =	vshrl.u32 v3, $0x2;
	v1 =	vmov v3;
	v0 =	vor.u32 v0, v4  }
.Ltmp4:
0x44: {  	_ = 	snop;
	(pc) =	sbr.rel .LBB2_4-.Ltmp4, $1  }
0x45: {  	_ =	sdelay $0x3  }
.LBB2_6:
0x46: {  	_ =	sfence.sel $0x180000  }
0x47: {  	s2 =	simm.s32 $0x2;
	[bflag:$0x0] =	sbarrier.arrive $0xFFFF  }
0x48: {  	s30 =	simm.s32 $0x3;
	[sflag:s2] =	ssyncpa.u1 $0x1  }
0x49: {  	s31 =	simm.s32 $0x1;
	[sflag:s30] =	ssyncpa.u1 $0x1  }
0x4a: {  	[sflag:s31] =	ssyncpa.u1 $0x1  }
0x4b: {  	p0 =	sne.s32 s0, $0x0;
	_ =	strace $0x90000047  }
0x4c: {  	s0 =	sadd.s32 @!p0 $0x100000, s1;
	[bflag:$0x2] =	sbarrier.arrive $0xFFFF  }
0x4d: {  	[sflag:s0] =	ssyncadd.tile.s32 @!p0 $0x1;
	_ =	shalt  }
.Lfunc_end2:
_tile_overlayer_lowered:
.L_overlay_start_2:
0x4e: {  	(tag) =	ssettag $0x2  }
0x4f: {  	s0 =	rddreg [dreg:$0x0];
	s2 =	stileid.u32  }
0x50: {  	s1 =	rddreg [dreg:$0x1];
	p0 =	sne.s32 s2, $0x0  }
0x51: {  	s3 =	rddreg [dreg:$0x2];
	[bflag:$0x3] =	sbarrier.arrive $0xFFFF;
	s2 =	simm.s32 @!p0 $0x1C01  }
0x52: {  	[timem:s3], [sflag:s2] =	dma.local @!p0 [hbm:s0], s1  }
0x53: {  	s0 =	simm.s32 @!p0 $0x1  }
0x54: {  	_ =	swait.ge @!p0 [sflag:s0], s1  }
0x55: {  	s1 =	ssub.s32 @!p0 $0x0, s1;
	[sflag:s0] =	ssyncset.done @!p0 $0x0  }
0x56: {  	[sflag:s0] =	ssyncadd.s32 @!p0 s1  }
0x57: {  	[bflag:$0x3] =	sbarrier.arrive $0xFFFF  }
0x58: {  	_ =	shalt  }

// kernel: kernel.8.cloned.1.call-start
scs
__scs_entry_jumppad:
0x0: {  	(pc) =	sbr.rel $0x88, $3  }
0x1: {  	(tag) =	ssettag $0x0;
	lr =	simm.s32 $0x1  }
0x2: {  	[smem:$0x3F97] =	sst lr;
	_ =	strace $0xD0000000  }
0x3: {  	_ = 	snop  }
0x4: {  	_ = 	snop  }
0x5: {  	_ = 	snop  }
0x6: {  	_ = 	snop  }
0x7: {  	_ = 	snop  }
__scs_overlays_trampoline_lowered:
0x8: {  	[smem:$0x3FA6] =	sst s0  }
0x9: {  	[smem:$0x3FA7] =	sst s1  }
0xa: {  	[smem:$0x3FA8] =	sst s2  }
0xb: {  	[smem:$0x3FA9] =	sst s3  }
0xc: {  	[smem:$0x3FAA] =	sst s4  }
0xd: {  	[smem:$0x3FAB] =	sst s5  }
0xe: {  	[smem:$0x3FAC] =	sst s6  }
0xf: {  	[smem:$0x3FAD] =	sst s7  }
0x10: {  	[smem:$0x3FAE] =	sst s8  }
0x11: {  	[smem:$0x3FAF] =	sst s9;
	s0 =	simm.s32 @!p0 $0x0  }
0x12: {  	s1 =	sld [smem:$0x3F95];
	s0 =	simm.s32 @p0 $0x1  }
0x13: {  	[smem:$0x3FB0] =	sst s0;
	s0 =	simm.s32 @!p1 $0x0  }
0x14: {  	s2 =	sld [smem:$0x3F94];
	s0 =	simm.s32 @p1 $0x1  }
0x15: {  	[smem:$0x3FB1] =	sst s0;
	s0 =	simm.s32 @!p2 $0x0  }
0x16: {  	s3 =	sld [smem:$0x3FDB];
	s0 =	simm.s32 @p2 $0x1  }
0x17: {  	s4 =	simm.s32 $0x1BF5;
	[smem:$0x3FB3] =	sst s0  }
0x18: {  	s0 =	sld [smem:$0x3F96];
	_ =	swait.ge [sflag:s4], $0x0  }
0x19: {  	s7 =	sld [smem:$0x3F97]  }
0x1a: {  	s8 =	sadd.s32 $0xFFFFE003, lr  }
0x1b: {  	s9 =	sadd.s32 $0xFFFFFEF7, lr;
	s5 =	simm.s32 $0xFFFFFFFF;
	p2 =	slt.u32 s8, $0xFFFFF086  }
0x1c: {  	p1 =	slt.u32 s9, $0xF7A;
	s5 =	simm.s32 @!p2 $0x0  }
0x1d: {  	s5 =	simm.s32 @p1 $0x1;
	p0 =	seq.s32 s7, s2  }
0x1e: {  	s7 =	smul.u32 @!p0 $0xF7A, s2;
	p2 =	seq.s32 @!p0 s5, $0x0  }
0x1f: {  	s9 =	smul.u32 $0xF7A, s1;
	s8 =	simm.s32 @!p0 $0x1BF5;
	p2 =	por !p2, p0  }
0x20: {  	[sflag:s8] =	ssyncset.s32 @!p0 $0xFFFFF086;
	s6 =	sadd.s32 @!p0 s3, s7;
	s7 =	simm.s32 @!p0 $0x108  }
0x21: {  	s3 =	sadd.s32 s3, s9;
	s6 =	sadd.s32 @!p0 $0x88, s6;
	s7 =	simm.s32 @p2 $0x1082  }
0x22: {  	[simem:s7], [sflag:s8] =	dma.local @!p0 [hbm:s6], $0xF7A  }
0x23: {  	s9 =	sor.u32 $0xD0000000, s2;
	s6 =	simm.s32 $0x108;
	_ =	swait.ge @!p0 [sflag:s8], $0x0  }
0x24: {  	s3 =	sadd.s32 $0x88, s3;
	s6 =	simm.s32 @!p1 $0x1082;
	[sflag:s4] =	ssyncset.s32 $0xFFFFF086  }
0x25: {  	[simem:s6], [sflag:s4] =	dma.local [hbm:s3], $0xF7A  }
0x26: {  	[smem:$0x3F97] =	sst s1;
	(tag) =	ssettag s2;
	_ =	strace s9  }
0x27: {  	s1 =	sld [smem:$0x3FA7]  }
0x28: {  	s2 =	sld [smem:$0x3FA8]  }
0x29: {  	s4 =	sld [smem:$0x3FAA]  }
0x2a: {  	p0 =	seq.s32 s5, $0x0;
	s5 =	sld [smem:$0x3FAB]  }
0x2b: {  	s6 =	sld [smem:$0x3FAC]  }
0x2c: {  	s7 =	sld [smem:$0x3FAD]  }
0x2d: {  	s3 =	simm.s32 $0x108;
	s8 =	sld [smem:$0x3FAE]  }
0x2e: {  	s3 =	simm.s32 @!p0 $0x1082;
	s9 =	sld [smem:$0x3FAF]  }
0x2f: {  	lr =	sadd.s32 s0, s3;
	s0 =	sld [smem:$0x3FA6]  }
0x30: {  	s3 =	sld [smem:$0x3FA9]  }
0x31: {  	[smem:$0x3FB2] =	sst s10  }
0x32: {  	s10 =	sld [smem:$0x3FB0];
	_ =	sdelay $0x3  }
0x33: {  	p0 =	seq.s32 s10, $0x1;
	s10 =	sld [smem:$0x3FB2];
	_ =	sdelay $0x3  }
0x34: {  	[smem:$0x3FB2] =	sst s10  }
0x35: {  	s10 =	sld [smem:$0x3FB1];
	_ =	sdelay $0x3  }
0x36: {  	p1 =	seq.s32 s10, $0x1;
	s10 =	sld [smem:$0x3FB2];
	_ =	sdelay $0x3  }
0x37: {  	[smem:$0x3FB2] =	sst s10  }
0x38: {  	s10 =	sld [smem:$0x3FB3]  }
0x39: {  	_ = 	snop;
	(pc) =	sbr.ind lr, $3  }
0x3a: {  	_ = 	snop  }
0x3b: {  	_ = 	snop  }
0x3c: {  	p2 =	seq.s32 s10, $0x1;
	s10 =	sld [smem:$0x3FB2]  }
0x3d: {  	_ =	shalt  }
0x3e: {  	_ =	shalt  }
0x3f: {  	_ =	shalt  }
0x40: {  	_ =	shalt  }
0x41: {  	_ =	shalt  }
0x42: {  	_ =	shalt  }
0x43: {  	_ =	shalt  }
0x44: {  	_ =	shalt  }
0x45: {  	_ =	shalt  }
0x46: {  	_ =	shalt  }
0x47: {  	_ =	shalt  }
0x48: {  	_ =	shalt  }
0x49: {  	_ =	shalt  }
0x4a: {  	_ =	shalt  }
0x4b: {  	_ =	shalt  }
0x4c: {  	_ =	shalt  }
0x4d: {  	_ =	shalt  }
0x4e: {  	_ =	shalt  }
0x4f: {  	_ =	shalt  }
0x50: {  	_ =	shalt  }
0x51: {  	_ =	shalt  }
0x52: {  	_ =	shalt  }
0x53: {  	_ =	shalt  }
0x54: {  	_ =	shalt  }
0x55: {  	_ =	shalt  }
0x56: {  	_ =	shalt  }
0x57: {  	_ =	shalt  }
0x58: {  	_ =	shalt  }
0x59: {  	_ =	shalt  }
0x5a: {  	_ =	shalt  }
0x5b: {  	_ =	shalt  }
0x5c: {  	_ =	shalt  }
0x5d: {  	_ =	shalt  }
0x5e: {  	_ =	shalt  }
0x5f: {  	_ =	shalt  }
0x60: {  	_ =	shalt  }
0x61: {  	_ =	shalt  }
0x62: {  	_ =	shalt  }
0x63: {  	_ =	shalt  }
0x64: {  	_ =	shalt  }
0x65: {  	_ =	shalt  }
0x66: {  	_ =	shalt  }
0x67: {  	_ =	shalt  }
0x68: {  	_ =	shalt  }
0x69: {  	_ =	shalt  }
0x6a: {  	_ =	shalt  }
0x6b: {  	_ =	shalt  }
0x6c: {  	_ =	shalt  }
0x6d: {  	_ =	shalt  }
0x6e: {  	_ =	shalt  }
0x6f: {  	_ =	shalt  }
0x70: {  	_ =	shalt  }
0x71: {  	_ =	shalt  }
0x72: {  	_ =	shalt  }
0x73: {  	_ =	shalt  }
0x74: {  	_ =	shalt  }
0x75: {  	_ =	shalt  }
0x76: {  	_ =	shalt  }
0x77: {  	_ =	shalt  }
0x78: {  	_ =	shalt  }
0x79: {  	_ =	shalt  }
0x7a: {  	_ =	shalt  }
0x7b: {  	_ =	shalt  }
0x7c: {  	_ =	shalt  }
0x7d: {  	_ =	shalt  }
0x7e: {  	_ =	shalt  }
0x7f: {  	_ =	shalt  }
0x80: {  	_ =	shalt  }
0x81: {  	_ =	shalt  }
0x82: {  	_ =	shalt  }
0x83: {  	_ =	shalt  }
0x84: {  	_ =	shalt  }
0x85: {  	_ =	shalt  }
0x86: {  	_ =	shalt  }
0x87: {  	_ =	shalt  }
.Lfunc_end0:
.L_simem_size_0:
called_computation.1_lowered:
.L_overlay_start_0:
0x88: {  	s2 =	sld [smem:$0x3FD9]  }
0x89: {  	s3 =	sld [smem:$0x3FFE];
	_ =	sdelay $0x1  }
0x8a: {  	s1 =	srdreg.scid  }
0x8b: {  	s0 =	sand.u32 $0x1, s1  }
0x8c: {  	s16 =	sshll.u32 s0, $0xA;
	s2 =	sadd.s32 s3, s2  }
0x8d: {  	s2 =	sadd.s32 s2, s16  }
0x8e: {  	[smem:$0x3FBE] =	sst s2  }
0x8f: {  	_ = 	snop  }
0x90: {  	(tm) =	ssettm $0x1  }
0x91: {  	s17 =	sld [smem:$0x3FFB];
	_ =	sdelay $0x3  }
0x92: {  	_ =	strace s17  }
0x93: {  	s2 =	sld [smem:$0x3FFC];
	_ =	sdelay $0x3  }
0x94: {  	_ =	strace s2  }
0x95: {  	s2 =	sld [smem:$0x3FFD];
	_ =	sdelay $0x3  }
0x96: {  	_ =	strace s2  }
0x97: {  	_ =	strace $0x8FFFFFFF  }
0x98: {  	s18 =	sld [smem:$0x3FDB];
	_ =	sdelay $0x1  }
0x99: {  	s19 =	simm.s32 $_scs_section_size  }
0x9a: {  	s4 =	simm.s32 $_size__tile_overlayer_lowered;
	s5 =	simm.s32 $_tile_overlayer_lowered  }
0x9b: {  	s22 =	simm.s32 $0x1BFF;
	s21 =	sshll.u32 s5, $0x1;
	s2 =	sadd.s32 s19, s18  }
0x9c: {  	s6 =	simm.s32 $0x0;
	s20 =	sshll.u32 s4, $0x1;
	s4 =	sadd.s32 s21, s2  }
0x9d: {  	[timem:s6], [sflag:s22] =	dma.local [hbm:s4], s20  }
0x9e: {  	_ =	swait.ge [sflag:s22], s20  }
0x9f: {  	s3 =	ssub.s32 $0x0, s20;
	[sflag:s22] =	ssyncset.done $0x0  }
0xa0: {  	[sflag:s22] =	ssyncadd.s32 s3;
	_ =	sdelay $0x1  }
0xa1: {  	s23 =	simm.s32 $0x1B8B  }
0xa2: {  	_ =	swait.ge [sflag:s23], $0x1  }
0xa3: {  	[sflag:s23] =	ssyncset.done $0x0  }
0xa4: {  	s25 =	simm.s32 $0x1B8E;
	s24 =	sld [smem:$0x3FFE];
	[sflag:s23] =	ssyncadd.s32 $0xFFFFFFFF  }
0xa5: {  	s26 =	simm.s32 $execute0_lowered;
	[smem:$0x3FD2] =	sst s25  }
0xa6: {  	s4 =	sshll.u32 s26, $0x1;
	_ =	strace $0x80000049;
	[dreg:$0x1] =	wrdreg $0xFFFFFFFF  }
0xa7: {  	s28 =	simm.s32 $_size_execute0_lowered;
	s2 =	sadd.s32 s2, s4;
	[dreg:$0x0] =	wrdreg $0x0  }
0xa8: {  	s4 =	sshll.u32 s28, $0x1;
	[dreg:$0x2] =	wrdreg s2  }
0xa9: {  	[dreg:$0x3] =	wrdreg s4  }
0xaa: {  	[dreg:$0x4] =	wrdreg $0xC0  }
0xab: {  	_ =	task [dreg:s6], $0x5FFFF  }
0xac: {  	[dreg:$0x1] =	wrdreg $0xFFFFFFFF  }
0xad: {  	[dreg:$0x0] =	wrdreg $0x60  }
0xae: {  	[dreg:$0x2] =	wrdreg s24  }
0xaf: {  	[dreg:$0x3] =	wrdreg $0x9  }
0xb0: {  	_ =	task.clear_ibuf [dreg:s6], $0x4FFFF;
	_ =	strace $0x90000049  }
0xb1: {  	s29 =	simm.s32 $0x9;
	_ =	strace $0x8000004B  }
0xb2: {  	_ =	swait.ge [sflag:s29], $0x1  }
0xb3: {  	[sflag:s29] =	ssyncadd.s32 $0xFFFFFFFF  }
0xb4: {  	_ =	strace $0x9000004B  }
0xb5: {  	_ =	sfence  }
0xb6: {  	s30 =	sld [smem:$0x0];
	_ =	sdelay $0x2  }
0xb7: {  	s31 =	sshll.u32 s1, $0xD;
	s1 =	sshrl.u32 s1, $0x2  }
0xb8: {  	s3 =	sand.u32 $0x4000, s31;
	s1 =	sadd.s32 s1, s30  }
0xb9: {  	s0 =	sor.u32 s3, s0;
	s1 =	sshll.u32 s1, $0x11  }
0xba: {  	s0 =	sor.u32 s1, s0  }
0xbb: {  	s0 =	sadd.s32 $0x8F2B, s0  }
0xbc: {  	[sflag:s0] =	ssyncadd.remote.s32 $0x1  }
0xbd: {  	_ =	sfence.sel $0xFFFF  }
0xbe: {  	[dreg:$0x0] =	wrdreg $0xFFFFFFFF;
	(pc) =	sbr.abs _section_cstart, $3  }
0xbf: {  	[dreg:$0x1] =	wrdreg $0xFFFFFFFF  }
0xc0: {  	_ =	task.clear_ibuf [dreg:s6], $0x2FFFF;
	_ =	strace $0x9FFFFFFF  }
0xc1: {  	(tm) =	ssettm $0x7FFFFFFF  }
tec
execute0_lowered:
.L_overlay_start_1:
0x0: {  	(tag) =	ssettag $0x1  }
0x1: {  	s0 =	srdreg.scid;
	s5 =	stileid.u32  }
0x2: {  	s1 =	rddreg [dreg:$0x0];
	s2 =	simm.s32 $0x0;
	s15 =	simm.s32 $0x900  }
0x3: {  	s17 =	simm.s32 $0x1100;
	s18 =	simm.s32 $0x1900;
	s19 =	simm.s32 $0x2100  }
0x4: {  	s21 =	simm.s32 $0x2900;
	s22 =	simm.s32 $0x3100;
	s23 =	simm.s32 $0x3900  }
0x5: {  	s24 =	simm.s32 $0x4100;
	s25 =	simm.s32 $0x4900;
	[smem:$0x7FF] =	sst s2  }
0x6: {  	s7 =	simm.s32 $0x100;
	_ =	strace $0x8000004A;
	[dreg:$0x3] =	wrdreg s15  }
0x7: {  	s26 =	simm.s32 $0x5100;
	s8 =	simm.s32 $0x5900;
	[dreg:$0x4] =	wrdreg s17  }
0x8: {  	s9 =	simm.s32 $0x6100;
	s10 =	simm.s32 $0x6900;
	[dreg:$0x5] =	wrdreg s18  }
0x9: {  	s11 =	simm.s32 $0x7100;
	s12 =	simm.s32 $0x7900;
	[dreg:$0x6] =	wrdreg s19  }
0xa: {  	s13 =	simm.s32 $0x8100;
	s28 =	simm.s32 $0xF100;
	[dreg:$0x7] =	wrdreg s21  }
0xb: {  	s29 =	simm.s32 $0xF900;
	s30 =	simm.s32 $0x1;
	[dreg:$0x8] =	wrdreg s22  }
0xc: {  	s31 =	simm.s32 $0x0;
	s0 =	sand.u32 $0x1, s0;
	[dreg:$0x9] =	wrdreg s23  }
0xd: {  	s3 =	sshll.u32 s5, $0xD;
	s5 =	sshll.u32 s5, $0x12;
	[dreg:$0xa] =	wrdreg s24  }
0xe: {  	s4 =	sshll.u32 s0, $0xC;
	s16 =	ssub.s32 $0x2, s0;
	[dreg:$0xb] =	wrdreg s25  }
0xf: {  	s0 =	sshll.u32 s0, $0x11;
	[dreg:$0xc] =	wrdreg s26;
	s15 =	simm.s32 $0x9100  }
0x10: {  	s17 =	simm.s32 $0xA100;
	s18 =	simm.s32 $0xA900;
	s19 =	simm.s32 $0xB100  }
0x11: {  	s21 =	simm.s32 $0xC100;
	s22 =	simm.s32 $0xC900;
	s23 =	simm.s32 $0xD100  }
0x12: {  	s24 =	simm.s32 $0xD900;
	s25 =	simm.s32 $0xE100;
	s3 =	sor.u32 s4, s3  }
0x13: {  	s26 =	simm.s32 $0xE900;
	s6 =	sshrl.u32 s16, $0x1;
	s3 =	sshrl.u32 s3, $0x3  }
0x14: {  	s14 =	sadd.s32 s3, s1;
	s3 =	sadd.s32 $0xC00, s1;
	s1 =	sadd.s32 s5, s1  }
0x15: {  	s5 =	ssub.s32 s16, s6;
	s6 =	simm.s32 $0x2;
	s4 =	sadd.s32 $0x80C00, s14  }
0x16: {  	v2 =	vlaneseq.u32;
	s20 =	smax.u32 s5, $0x1;
	s0 =	sadd.s32 s0, s1;
	[dreg:$0x2] =	wrdreg s4  }
0x17: {  	vm0 =	vmmov $0xffff;
	v1 =	vshrl.u32 v2, $0x3;
	s16 =	simm.s32 $0x9900;
	[dreg:$0xd] =	wrdreg s20;
	s0 =	sadd.s32 $0x84C00, s0  }
0x18: {  	v0 =	vand.u32 $0x7, v2;
	v2 =	vor.u32 $0x8, v2;
	v1 =	vmul.u32 $0x8, v1;
	s14 =	simm.s32 $0x8900;
	s20 =	simm.s32 $0xB900;
	[dreg:$0xe] =	wrdreg s0  }
.LBB2_1:
0x19: {  	s5 =	rddreg [dreg:$0xe];
	s0 =	simm.s32 $0x0  }
.LBB2_2:
0x1a: {  	s4 =	rddreg [dreg:$0x2]  }
0x1b: {  	s4 =	sadd.s32 s0, s4  }
0x1c: {  	[tilespmem:s2], [sflag:$0x2] =	stream.linear.gather [hbm4b:s4+s2], $0x100, $0x38;
	[tilespmem:$0x10100] =	vst v63  }
0x1d: {  	_ =	swait.ge [sflag:s6], $0x100  }
0x1e: {  	[sflag:s6] =	ssyncset.done $0x0  }
0x1f: {  	[sflag:s6] =	ssyncadd.s32 $0xFFFFFF00  }
0x20: {  	v3 =	vld [tilespmem:$0x0];
	_ =	sdelay $0x4  }
0x21: {  	v4 =	vshll.u32 v3, $0x1  }
0x22: {  	v3 =	vand.u32 $0x7, v3;
	v4 =	vand.u32 $0xFFFFFFF0, v4  }
0x23: {  	v3 =	vor.u32 v3, v4  }
0x24: {  	v4 =	vperm.xlane v3, v0;
	_ =	sdelay $0x1  }
0x25: {  	v3 =	vperm.xlane v3, v2;
	v4 =	vadd.s32 v1, v4;
	_ =	sdelay $0x1  }
0x26: {  	v3 =	vadd.s32 v1, v3;
	_ =	sdelay $0x2  }
0x27: {  	[tilespmem:s7], [sflag:$0x1] =	stream.indirect_vreg.gather [hbm4b:s3+s2], $0x80, v4, vm0, $0xb8;
	[tilespmem:$0x10100] =	vst v63  }
0x28: {  	s1 =	rddreg [dreg:$0x3]  }
0x29: {  	[tilespmem:s1], [sflag:$0x1] =	stream.indirect_vreg.gather [hbm4b:s3+s2], $0x80, v3, vm0, $0xb8;
	[tilespmem:$0x10100] =	vst v63  }
0x2a: {  	v3 =	vld [tilespmem:$0x10];
	_ =	sdelay $0x4  }
0x2b: {  	v49 =	vshll.u32 v3, $0x1  }
0x2c: {  	v3 =	vand.u32 $0x7, v3;
	v4 =	vand.u32 $0xFFFFFFF0, v49  }
0x2d: {  	v3 =	vor.u32 v3, v4  }
0x2e: {  	v4 =	vperm.xlane v3, v0;
	_ =	sdelay $0x1  }
0x2f: {  	v3 =	vperm.xlane v3, v2;
	v4 =	vadd.s32 v1, v4;
	_ =	sdelay $0x1  }
0x30: {  	v3 =	vadd.s32 v1, v3;
	_ =	sdelay $0x1  }
0x31: {  	s4 =	rddreg [dreg:$0x4]  }
0x32: {  	[tilespmem:s4], [sflag:$0x1] =	stream.indirect_vreg.gather [hbm4b:s3+s2], $0x80, v4, vm0, $0xb8;
	[tilespmem:$0x10100] =	vst v63  }
0x33: {  	s1 =	rddreg [dreg:$0x5]  }
0x34: {  	[tilespmem:s1], [sflag:$0x1] =	stream.indirect_vreg.gather [hbm4b:s3+s2], $0x80, v3, vm0, $0xb8;
	[tilespmem:$0x10100] =	vst v63  }
0x35: {  	v3 =	vld [tilespmem:$0x20];
	_ =	sdelay $0x4  }
0x36: {  	v50 =	vshll.u32 v3, $0x1  }
0x37: {  	v3 =	vand.u32 $0x7, v3;
	v4 =	vand.u32 $0xFFFFFFF0, v50  }
0x38: {  	v3 =	vor.u32 v3, v4  }
0x39: {  	v4 =	vperm.xlane v3, v0;
	_ =	sdelay $0x1  }
0x3a: {  	v3 =	vperm.xlane v3, v2;
	v4 =	vadd.s32 v1, v4;
	_ =	sdelay $0x1  }
0x3b: {  	v3 =	vadd.s32 v1, v3;
	_ =	sdelay $0x1  }
0x3c: {  	s1 =	rddreg [dreg:$0x6]  }
0x3d: {  	[tilespmem:s1], [sflag:$0x1] =	stream.indirect_vreg.gather [hbm4b:s3+s2], $0x80, v4, vm0, $0xb8;
	[tilespmem:$0x10100] =	vst v63  }
0x3e: {  	s4 =	rddreg [dreg:$0x7]  }
0x3f: {  	[tilespmem:s4], [sflag:$0x1] =	stream.indirect_vreg.gather [hbm4b:s3+s2], $0x80, v3, vm0, $0xb8;
	[tilespmem:$0x10100] =	vst v63  }
0x40: {  	v3 =	vld [tilespmem:$0x30];
	_ =	sdelay $0x4  }
0x41: {  	v51 =	vshll.u32 v3, $0x1  }
0x42: {  	v3 =	vand.u32 $0x7, v3;
	v4 =	vand.u32 $0xFFFFFFF0, v51  }
0x43: {  	v3 =	vor.u32 v3, v4  }
0x44: {  	v4 =	vperm.xlane v3, v0;
	_ =	sdelay $0x1  }
0x45: {  	v3 =	vperm.xlane v3, v2;
	v4 =	vadd.s32 v1, v4;
	_ =	sdelay $0x1  }
0x46: {  	v3 =	vadd.s32 v1, v3;
	_ =	sdelay $0x1  }
0x47: {  	s1 =	rddreg [dreg:$0x8]  }
0x48: {  	[tilespmem:s1], [sflag:$0x1] =	stream.indirect_vreg.gather [hbm4b:s3+s2], $0x80, v4, vm0, $0xb8;
	[tilespmem:$0x10100] =	vst v63  }
0x49: {  	s4 =	rddreg [dreg:$0x9]  }
0x4a: {  	[tilespmem:s4], [sflag:$0x1] =	stream.indirect_vreg.gather [hbm4b:s3+s2], $0x80, v3, vm0, $0xb8;
	[tilespmem:$0x10100] =	vst v63  }
0x4b: {  	v3 =	vld [tilespmem:$0x40];
	_ =	sdelay $0x4  }
0x4c: {  	v52 =	vshll.u32 v3, $0x1  }
0x4d: {  	v3 =	vand.u32 $0x7, v3;
	v4 =	vand.u32 $0xFFFFFFF0, v52  }
0x4e: {  	v3 =	vor.u32 v3, v4  }
0x4f: {  	v4 =	vperm.xlane v3, v0;
	_ =	sdelay $0x1  }
0x50: {  	v3 =	vperm.xlane v3, v2;
	v4 =	vadd.s32 v1, v4;
	_ =	sdelay $0x1  }
0x51: {  	v3 =	vadd.s32 v1, v3;
	_ =	sdelay $0x1  }
0x52: {  	s1 =	rddreg [dreg:$0xa]  }
0x53: {  	[tilespmem:s1], [sflag:$0x1] =	stream.indirect_vreg.gather [hbm4b:s3+s2], $0x80, v4, vm0, $0xb8;
	[tilespmem:$0x10100] =	vst v63  }
0x54: {  	s4 =	rddreg [dreg:$0xb]  }
0x55: {  	[tilespmem:s4], [sflag:$0x1] =	stream.indirect_vreg.gather [hbm4b:s3+s2], $0x80, v3, vm0, $0xb8;
	[tilespmem:$0x10100] =	vst v63  }
0x56: {  	v3 =	vld [tilespmem:$0x50];
	_ =	sdelay $0x4  }
0x57: {  	v53 =	vshll.u32 v3, $0x1  }
0x58: {  	v3 =	vand.u32 $0x7, v3;
	v4 =	vand.u32 $0xFFFFFFF0, v53  }
0x59: {  	v3 =	vor.u32 v3, v4  }
0x5a: {  	v4 =	vperm.xlane v3, v0;
	_ =	sdelay $0x1  }
0x5b: {  	v3 =	vperm.xlane v3, v2;
	v4 =	vadd.s32 v1, v4;
	_ =	sdelay $0x1  }
0x5c: {  	v3 =	vadd.s32 v1, v3;
	_ =	sdelay $0x1  }
0x5d: {  	s4 =	rddreg [dreg:$0xc]  }
0x5e: {  	[tilespmem:s4], [sflag:$0x1] =	stream.indirect_vreg.gather [hbm4b:s3+s2], $0x80, v4, vm0, $0xb8;
	[tilespmem:$0x10100] =	vst v63  }
0x5f: {  	_ = 	snop  }
0x60: {  	[tilespmem:s8], [sflag:$0x1] =	stream.indirect_vreg.gather [hbm4b:s3+s2], $0x80, v3, vm0, $0xb8;
	[tilespmem:$0x10100] =	vst v63  }
0x61: {  	v3 =	vld [tilespmem:$0x60];
	_ =	sdelay $0x4  }
0x62: {  	v54 =	vshll.u32 v3, $0x1  }
0x63: {  	v3 =	vand.u32 $0x7, v3;
	v4 =	vand.u32 $0xFFFFFFF0, v54  }
0x64: {  	v3 =	vor.u32 v3, v4  }
0x65: {  	v4 =	vperm.xlane v3, v0;
	_ =	sdelay $0x1  }
0x66: {  	v3 =	vperm.xlane v3, v2;
	v4 =	vadd.s32 v1, v4;
	_ =	sdelay $0x1  }
0x67: {  	v3 =	vadd.s32 v1, v3;
	_ =	sdelay $0x2  }
0x68: {  	[tilespmem:s9], [sflag:$0x1] =	stream.indirect_vreg.gather [hbm4b:s3+s2], $0x80, v4, vm0, $0xb8;
	[tilespmem:$0x10100] =	vst v63  }
0x69: {  	_ = 	snop  }
0x6a: {  	[tilespmem:s10], [sflag:$0x1] =	stream.indirect_vreg.gather [hbm4b:s3+s2], $0x80, v3, vm0, $0xb8;
	[tilespmem:$0x10100] =	vst v63  }
0x6b: {  	v3 =	vld [tilespmem:$0x70];
	_ =	sdelay $0x4  }
0x6c: {  	v55 =	vshll.u32 v3, $0x1  }
0x6d: {  	v3 =	vand.u32 $0x7, v3;
	v4 =	vand.u32 $0xFFFFFFF0, v55  }
0x6e: {  	v3 =	vor.u32 v3, v4  }
0x6f: {  	v4 =	vperm.xlane v3, v0;
	_ =	sdelay $0x1  }
0x70: {  	v3 =	vperm.xlane v3, v2;
	v4 =	vadd.s32 v1, v4;
	_ =	sdelay $0x1  }
0x71: {  	v3 =	vadd.s32 v1, v3;
	_ =	sdelay $0x2  }
0x72: {  	[tilespmem:s11], [sflag:$0x1] =	stream.indirect_vreg.gather [hbm4b:s3+s2], $0x80, v4, vm0, $0xb8;
	[tilespmem:$0x10100] =	vst v63  }
0x73: {  	_ = 	snop  }
0x74: {  	[tilespmem:s12], [sflag:$0x1] =	stream.indirect_vreg.gather [hbm4b:s3+s2], $0x80, v3, vm0, $0xb8;
	[tilespmem:$0x10100] =	vst v63  }
0x75: {  	v3 =	vld [tilespmem:$0x80];
	_ =	sdelay $0x4  }
0x76: {  	v56 =	vshll.u32 v3, $0x1  }
0x77: {  	v3 =	vand.u32 $0x7, v3;
	v4 =	vand.u32 $0xFFFFFFF0, v56  }
0x78: {  	v3 =	vor.u32 v3, v4  }
0x79: {  	v4 =	vperm.xlane v3, v0;
	_ =	sdelay $0x1  }
0x7a: {  	v3 =	vperm.xlane v3, v2;
	v4 =	vadd.s32 v1, v4;
	_ =	sdelay $0x1  }
0x7b: {  	v3 =	vadd.s32 v1, v3;
	_ =	sdelay $0x2  }
0x7c: {  	[tilespmem:s13], [sflag:$0x1] =	stream.indirect_vreg.gather [hbm4b:s3+s2], $0x80, v4, vm0, $0xb8;
	[tilespmem:$0x10100] =	vst v63  }
0x7d: {  	_ = 	snop  }
0x7e: {  	[tilespmem:s14], [sflag:$0x1] =	stream.indirect_vreg.gather [hbm4b:s3+s2], $0x80, v3, vm0, $0xb8;
	[tilespmem:$0x10100] =	vst v63  }
0x7f: {  	v3 =	vld [tilespmem:$0x90];
	_ =	sdelay $0x4  }
0x80: {  	v57 =	vshll.u32 v3, $0x1  }
0x81: {  	v3 =	vand.u32 $0x7, v3;
	v4 =	vand.u32 $0xFFFFFFF0, v57  }
0x82: {  	v3 =	vor.u32 v3, v4  }
0x83: {  	v4 =	vperm.xlane v3, v0;
	_ =	sdelay $0x1  }
0x84: {  	v3 =	vperm.xlane v3, v2;
	v4 =	vadd.s32 v1, v4;
	_ =	sdelay $0x1  }
0x85: {  	v3 =	vadd.s32 v1, v3;
	_ =	sdelay $0x2  }
0x86: {  	[tilespmem:s15], [sflag:$0x1] =	stream.indirect_vreg.gather [hbm4b:s3+s2], $0x80, v4, vm0, $0xb8;
	[tilespmem:$0x10100] =	vst v63  }
0x87: {  	_ = 	snop  }
0x88: {  	[tilespmem:s16], [sflag:$0x1] =	stream.indirect_vreg.gather [hbm4b:s3+s2], $0x80, v3, vm0, $0xb8;
	[tilespmem:$0x10100] =	vst v63  }
0x89: {  	v3 =	vld [tilespmem:$0xA0];
	_ =	sdelay $0x4  }
0x8a: {  	v58 =	vshll.u32 v3, $0x1  }
0x8b: {  	v3 =	vand.u32 $0x7, v3;
	v4 =	vand.u32 $0xFFFFFFF0, v58  }
0x8c: {  	v3 =	vor.u32 v3, v4  }
0x8d: {  	v4 =	vperm.xlane v3, v0;
	_ =	sdelay $0x1  }
0x8e: {  	v3 =	vperm.xlane v3, v2;
	v4 =	vadd.s32 v1, v4;
	_ =	sdelay $0x1  }
0x8f: {  	v3 =	vadd.s32 v1, v3;
	_ =	sdelay $0x2  }
0x90: {  	[tilespmem:s17], [sflag:$0x1] =	stream.indirect_vreg.gather [hbm4b:s3+s2], $0x80, v4, vm0, $0xb8;
	[tilespmem:$0x10100] =	vst v63  }
0x91: {  	_ = 	snop  }
0x92: {  	[tilespmem:s18], [sflag:$0x1] =	stream.indirect_vreg.gather [hbm4b:s3+s2], $0x80, v3, vm0, $0xb8;
	[tilespmem:$0x10100] =	vst v63  }
0x93: {  	v3 =	vld [tilespmem:$0xB0];
	_ =	sdelay $0x4  }
0x94: {  	v59 =	vshll.u32 v3, $0x1  }
0x95: {  	v3 =	vand.u32 $0x7, v3;
	v4 =	vand.u32 $0xFFFFFFF0, v59  }
0x96: {  	v3 =	vor.u32 v3, v4  }
0x97: {  	v4 =	vperm.xlane v3, v0;
	_ =	sdelay $0x1  }
0x98: {  	v3 =	vperm.xlane v3, v2;
	v4 =	vadd.s32 v1, v4;
	_ =	sdelay $0x1  }
0x99: {  	v3 =	vadd.s32 v1, v3;
	_ =	sdelay $0x2  }
0x9a: {  	[tilespmem:s19], [sflag:$0x1] =	stream.indirect_vreg.gather [hbm4b:s3+s2], $0x80, v4, vm0, $0xb8;
	[tilespmem:$0x10100] =	vst v63  }
0x9b: {  	_ = 	snop  }
0x9c: {  	[tilespmem:s20], [sflag:$0x1] =	stream.indirect_vreg.gather [hbm4b:s3+s2], $0x80, v3, vm0, $0xb8;
	[tilespmem:$0x10100] =	vst v63  }
0x9d: {  	v3 =	vld [tilespmem:$0xC0];
	_ =	sdelay $0x4  }
0x9e: {  	v60 =	vshll.u32 v3, $0x1  }
0x9f: {  	v3 =	vand.u32 $0x7, v3;
	v4 =	vand.u32 $0xFFFFFFF0, v60  }
0xa0: {  	v3 =	vor.u32 v3, v4  }
0xa1: {  	v4 =	vperm.xlane v3, v0;
	_ =	sdelay $0x1  }
0xa2: {  	v3 =	vperm.xlane v3, v2;
	v4 =	vadd.s32 v1, v4;
	_ =	sdelay $0x1  }
0xa3: {  	v3 =	vadd.s32 v1, v3;
	_ =	sdelay $0x2  }
0xa4: {  	[tilespmem:s21], [sflag:$0x1] =	stream.indirect_vreg.gather [hbm4b:s3+s2], $0x80, v4, vm0, $0xb8;
	[tilespmem:$0x10100] =	vst v63  }
0xa5: {  	_ = 	snop  }
0xa6: {  	[tilespmem:s22], [sflag:$0x1] =	stream.indirect_vreg.gather [hbm4b:s3+s2], $0x80, v3, vm0, $0xb8;
	[tilespmem:$0x10100] =	vst v63  }
0xa7: {  	v3 =	vld [tilespmem:$0xD0];
	_ =	sdelay $0x4  }
0xa8: {  	v61 =	vshll.u32 v3, $0x1  }
0xa9: {  	v3 =	vand.u32 $0x7, v3;
	v4 =	vand.u32 $0xFFFFFFF0, v61  }
0xaa: {  	v3 =	vor.u32 v3, v4  }
0xab: {  	v4 =	vperm.xlane v3, v0;
	_ =	sdelay $0x1  }
0xac: {  	v3 =	vperm.xlane v3, v2;
	v4 =	vadd.s32 v1, v4;
	_ =	sdelay $0x1  }
0xad: {  	v3 =	vadd.s32 v1, v3;
	_ =	sdelay $0x2  }
0xae: {  	[tilespmem:s23], [sflag:$0x1] =	stream.indirect_vreg.gather [hbm4b:s3+s2], $0x80, v4, vm0, $0xb8;
	[tilespmem:$0x10100] =	vst v63  }
0xaf: {  	_ = 	snop  }
0xb0: {  	[tilespmem:s24], [sflag:$0x1] =	stream.indirect_vreg.gather [hbm4b:s3+s2], $0x80, v3, vm0, $0xb8;
	[tilespmem:$0x10100] =	vst v63  }
0xb1: {  	v3 =	vld [tilespmem:$0xE0];
	_ =	sdelay $0x4  }
0xb2: {  	v62 =	vshll.u32 v3, $0x1  }
0xb3: {  	v3 =	vand.u32 $0x7, v3;
	v4 =	vand.u32 $0xFFFFFFF0, v62  }
0xb4: {  	v3 =	vor.u32 v3, v4  }
0xb5: {  	v4 =	vperm.xlane v3, v0;
	_ =	sdelay $0x1  }
0xb6: {  	v3 =	vperm.xlane v3, v2;
	v4 =	vadd.s32 v1, v4;
	_ =	sdelay $0x1  }
0xb7: {  	v3 =	vadd.s32 v1, v3;
	_ =	sdelay $0x2  }
0xb8: {  	[tilespmem:s25], [sflag:$0x1] =	stream.indirect_vreg.gather [hbm4b:s3+s2], $0x80, v4, vm0, $0xb8;
	[tilespmem:$0x10100] =	vst v63  }
0xb9: {  	_ = 	snop  }
0xba: {  	[tilespmem:s26], [sflag:$0x1] =	stream.indirect_vreg.gather [hbm4b:s3+s2], $0x80, v3, vm0, $0xb8;
	[tilespmem:$0x10100] =	vst v63  }
0xbb: {  	v3 =	vld [tilespmem:$0xF0];
	_ =	sdelay $0x4  }
0xbc: {  	v63 =	vshll.u32 v3, $0x1  }
0xbd: {  	v3 =	vand.u32 $0x7, v3;
	v4 =	vand.u32 $0xFFFFFFF0, v63  }
0xbe: {  	v3 =	vor.u32 v3, v4  }
0xbf: {  	v4 =	vperm.xlane v3, v0;
	_ =	sdelay $0x1  }
0xc0: {  	v3 =	vperm.xlane v3, v2;
	v4 =	vadd.s32 v1, v4;
	_ =	sdelay $0x1  }
0xc1: {  	v3 =	vadd.s32 v1, v3;
	_ =	sdelay $0x2  }
0xc2: {  	[tilespmem:s28], [sflag:$0x1] =	stream.indirect_vreg.gather [hbm4b:s3+s2], $0x80, v4, vm0, $0xb8;
	[tilespmem:$0x10100] =	vst v63  }
0xc3: {  	_ = 	snop  }
0xc4: {  	[tilespmem:s29], [sflag:$0x1] =	stream.indirect_vreg.gather [hbm4b:s3+s2], $0x80, v3, vm0, $0xb8;
	[tilespmem:$0x10100] =	vst v63  }
0xc5: {  	_ =	swait.ge [sflag:s30], $0x10000  }
0xc6: {  	p0 =	sne.s32 s0, $0x1E0;
	[sflag:s30] =	ssyncset.done $0x0  }
.Ltmp0:
0xc7: {  	[sflag:s30] =	ssyncadd.s32 $0xFFFF0000;
	(pc) =	sbr.rel @p0 .LBB2_2-.Ltmp0, $4  }
0xc8: {  	[hbm4b:s5+s2] =	stream.linear.scatter [tilespmem:s7], [sflag:$0x2], $0x10000, $0x38;
	[tilespmem:$0x10100] =	vst v63  }
0xc9: {  	_ =	swait.ge [sflag:s6], $0x10000  }
0xca: {  	[sflag:s6] =	ssyncset.done $0x0  }
0xcb: {  	s0 =	sadd.s32 $0x20, s0;
	s5 =	sadd.s32 $0x2000, s5;
	[sflag:s6] =	ssyncadd.s32 $0xFFFF0000  }
0xcc: {  	s31 =	sadd.s32 $0x1, s31;
	s0 =	rddreg [dreg:$0xd]  }
0xcd: {  	p0 =	sne.s32 s31, s0  }
.Ltmp1:
0xce: {  	_ = 	snop;
	(pc) =	sbr.rel @p0 .LBB2_1-.Ltmp1, $1  }
0xcf: {  	_ =	sdelay $0x3  }
0xd0: {  	_ =	sfence.sel $0x180000  }
0xd1: {  	[bflag:$0x0] =	sbarrier.arrive $0xFFFF  }
0xd2: {  	_ =	strace $0x9000004A  }
0xd3: {  	s0 =	stileid.u32;
	[bflag:$0x2] =	sbarrier.arrive $0xFFFF  }
0xd4: {  	p0 =	sne.s32 s0, $0x0;
	s0 =	rddreg [dreg:$0x1]  }
0xd5: {  	s0 =	sadd.s32 @!p0 $0x100000, s0  }
0xd6: {  	[sflag:s0] =	ssyncadd.tile.s32 @!p0 $0x1;
	_ =	shalt  }
.Lfunc_end2:
_tile_overlayer_lowered:
.L_overlay_start_2:
0xd7: {  	(tag) =	ssettag $0x2  }
0xd8: {  	s0 =	rddreg [dreg:$0x0];
	s2 =	stileid.u32  }
0xd9: {  	s1 =	rddreg [dreg:$0x1];
	p0 =	sne.s32 s2, $0x0  }
0xda: {  	s3 =	rddreg [dreg:$0x2];
	[bflag:$0x3] =	sbarrier.arrive $0xFFFF;
	s2 =	simm.s32 @!p0 $0x1C02  }
0xdb: {  	[timem:s3], [sflag:s2] =	dma.local @!p0 [hbm:s0], s1  }
0xdc: {  	s0 =	simm.s32 @!p0 $0x2  }
0xdd: {  	_ =	swait.ge @!p0 [sflag:s0], s1  }
0xde: {  	s1 =	ssub.s32 @!p0 $0x0, s1;
	[sflag:s0] =	ssyncset.done @!p0 $0x0  }
0xdf: {  	[sflag:s0] =	ssyncadd.s32 @!p0 s1  }
0xe0: {  	[bflag:$0x3] =	sbarrier.arrive $0xFFFF  }
0xe1: {  	_ =	shalt  }

</sc_bundles>
